<compile_context>
chip_gen: v7x
topology: tpu7x:2x2x1
jax: 0.10.2.dev20260603
libtpu: 0.0.44.dev20260713+nightly
codegen_flags: <defaults>
</compile_context>

<pallas_src>
import functools

import jax
import jax.numpy as jnp
from jax import lax
from jax.experimental import pallas as pl
from jax.experimental.pallas import tpu as pltpu
from jax.experimental.pallas import tpu_sc as plsc

N0, N1, N2 = 10000, 2000, 400
D = 128
DE = 144
CH = 128
NW = 32
NB = 4


def _make_agg(e_pad, n_dst):
  n_chunks = e_pad // CH
  assert n_chunks % (NW * NB) == 0
  cpw = n_chunks // NW
  n_grp = cpw // NB
  n_acc = ((n_dst + 1 + 127) // 128) * 128
  rows_init = n_acc // 16
  mesh = plsc.VectorSubcoreMesh(core_axis_name="c", subcore_axis_name="s")

  @functools.partial(
      pl.kernel,
      out_type=jax.ShapeDtypeStruct((2, n_acc, DE), jnp.float32),
      mesh=mesh,
      compiler_params=pltpu.CompilerParams(use_tc_tiling_on_sc=False),
      scratch_types=(
          [pltpu.VMEM((cpw, CH), jnp.int32)] * 2
          + [pltpu.VMEM((CH, DE), jnp.float32)] * NB
          + [pltpu.VMEM_SHARED((n_acc, DE), jnp.float32)]
          + [pltpu.SemaphoreType.DMA] * NB),
  )
  def agg(xext, src, dst, zeros, out, src_v, dst_v, *rest):
    bufs = rest[:NB]
    acc = rest[NB]
    sg = rest[NB + 1:]
    c = lax.axis_index("c")
    s = lax.axis_index("s")
    wid = s * 2 + c
    pltpu.sync_copy(zeros.at[pl.ds(s * rows_init, rows_init)],
                    acc.at[pl.ds(s * rows_init, rows_init)])
    pltpu.sync_copy(src.at[pl.ds(wid * cpw, cpw)], src_v)
    pltpu.sync_copy(dst.at[pl.ds(wid * cpw, cpw)], dst_v)
    plsc.subcore_barrier()

    def gather(j, b):
      return pltpu.async_copy(xext.at[src_v.at[j]], bufs[b], sg[b])

    def wait_gather(b):
      pltpu.make_async_copy(xext.at[src_v.at[0]], bufs[b], sg[b]).wait()

    def scatter_sync(j, b):
      pltpu.sync_copy(bufs[b], acc.at[dst_v.at[j]], add=True)

    for b in range(NB):
      gather(b, b)

    def body(g, carry):
      j0 = g * NB
      for b in range(NB):
        wait_gather(b)
        scatter_sync(j0 + b, b)
        gather(j0 + NB + b, b)
      return carry

    lax.fori_loop(0, n_grp - 1, body, 0)
    j0 = (n_grp - 1) * NB
    for b in range(NB):
      wait_gather(b)
      scatter_sync(j0 + b, b)

    plsc.subcore_barrier()
    pltpu.sync_copy(acc.at[pl.ds(s * rows_init, rows_init)],
                    out.at[c, pl.ds(s * rows_init, rows_init)])

  return agg


def _make_post(n_tgt, relu, make_ext):
  out_cols = DE if make_ext else D

  def body(accp_ref, xt_ref, wl_ref, bl_ref, wr_ref, out_ref):
    acc = accp_ref[0] + accp_ref[1]
    acc = acc[:n_tgt]
    ssum = acc[:, :D]
    deg = acc[:, D:D + 1]
    mean = ssum / jnp.maximum(deg, 1.0)
    h = lax.dot_general(mean, wl_ref[...], (((1,), (1,)), ((), ())),
                        preferred_element_type=jnp.float32)
    h = h + bl_ref[...]
    h = h + lax.dot_general(xt_ref[...], wr_ref[...], (((1,), (1,)), ((), ())),
                            preferred_element_type=jnp.float32)
    if relu:
      h = jnp.maximum(h, 0.0)
    if make_ext:
      h = jnp.concatenate(
          [h, jnp.ones((n_tgt, DE - D), jnp.float32)], axis=1)
    out_ref[...] = h

  return pl.pallas_call(
      body,
      out_shape=jax.ShapeDtypeStruct((n_tgt, out_cols), jnp.float32),
  )


def _epad(e):
  return ((e + CH * NW * NB - 1) // (CH * NW * NB)) * (CH * NW * NB)


def _pad_edges(src, dst, n_dst):
  e = src.shape[0]
  npad = _epad(e) - e
  n_acc = ((n_dst + 1 + 127) // 128) * 128
  pad_dst = n_dst + (jnp.arange(npad, dtype=jnp.int32) % (n_acc - n_dst))
  src_p = jnp.concatenate([src, jnp.zeros((npad,), jnp.int32)])
  dst_p = jnp.concatenate([dst, pad_dst])
  return src_p.reshape(-1, CH), dst_p.reshape(-1, CH)


_agg0 = _make_agg(_epad(320000), N1)
_agg1 = _make_agg(_epad(64000), N2)
_post0 = _make_post(N1, relu=True, make_ext=True)
_post1 = _make_post(N2, relu=False, make_ext=False)


def kernel(x, W_l0, b_l0, W_r0, W_l1, b_l1, W_r1, edge_index0, edge_index1):
  x = x.astype(jnp.float32)
  xext = jnp.concatenate([x, jnp.ones((N0, DE - D), jnp.float32)], axis=1)
  src0 = edge_index0[0].astype(jnp.int32)
  dst0 = edge_index0[1].astype(jnp.int32)
  src1 = edge_index1[0].astype(jnp.int32)
  dst1 = edge_index1[1].astype(jnp.int32)
  src0, dst0 = _pad_edges(src0, dst0, N1)
  src1, dst1 = _pad_edges(src1, dst1, N2)

  zeros0 = jnp.zeros((2048, DE), jnp.float32)
  zeros1 = jnp.zeros((512, DE), jnp.float32)

  acc0 = _agg0(xext, src0, dst0, zeros0)
  hext = _post0(acc0, x[:N1], W_l0, b_l0.reshape(1, D), W_r0)
  acc1 = _agg1(hext, src1, dst1, zeros1)
  out = _post1(acc1, hext[:N2, :D], W_l1, b_l1.reshape(1, D), W_r1)
  return out

# --- scband reference (transcript-rebuilt; emitter-appended) ---
"""Pipeline reference for scband-sage-11072425690020 (READ-ONLY COPY).

The authoritative reference and input builder live on the scoring server;
editing this copy changes nothing except your own understanding.
"""

import jax, jax.numpy as jnp
import numpy as np

N0, N1, N2 = 10000, 2000, 400
E0, E1 = 320000, 64000
D = 128


def setup_inputs(seed: int = 0) -> dict:
    key = jax.random.key(seed)
    ks = jax.random.split(key, 12)
    x = jax.random.normal(ks[0], (N0, D), dtype=jnp.float32)
    # layer 0 bipartite edges: src in [0, N0), dst in [0, N1)
    src0 = jax.random.randint(ks[1], (E0,), 0, N0)
    dst0 = jax.random.randint(ks[2], (E0,), 0, N1)
    edge_index0 = jnp.stack([src0, dst0], axis=0)
    # layer 1 bipartite edges: src in [0, N1), dst in [0, N2)
    src1 = jax.random.randint(ks[3], (E1,), 0, N1)
    dst1 = jax.random.randint(ks[4], (E1,), 0, N2)
    edge_index1 = jnp.stack([src1, dst1], axis=0)
    s = 0.05
    # SAGEConv params per layer: lin_l (applied to aggregated neighbors, with bias),
    # lin_r (applied to root/target nodes, no bias)
    W_l0 = jax.random.normal(ks[5], (D, D), dtype=jnp.float32) * s
    b_l0 = jnp.zeros((D,), dtype=jnp.float32)
    W_r0 = jax.random.normal(ks[6], (D, D), dtype=jnp.float32) * s
    W_l1 = jax.random.normal(ks[7], (D, D), dtype=jnp.float32) * s
    b_l1 = jnp.zeros((D,), dtype=jnp.float32)
    W_r1 = jax.random.normal(ks[8], (D, D), dtype=jnp.float32) * s
    return {
        "x": x,
        "W_l0": W_l0, "b_l0": b_l0, "W_r0": W_r0,
        "W_l1": W_l1, "b_l1": b_l1, "W_r1": W_r1,
        "edge_index0": edge_index0,
        "edge_index1": edge_index1,
    }


def _sage_layer(x_src, x_tgt, edge_index, W_l, b_l, W_r, n_tgt):
    src = edge_index[0]
    dst = edge_index[1]
    msgs = jnp.take(x_src, src, axis=0)                     # gather [E, D]
    summed = jax.ops.segment_sum(msgs, dst, num_segments=n_tgt)
    deg = jax.ops.segment_sum(jnp.ones((edge_index.shape[1],), x_src.dtype),
                              dst, num_segments=n_tgt)
    mean = summed / jnp.clip(deg, 1.0)[:, None]             # mean aggregation
    return mean @ W_l.T + b_l + x_tgt @ W_r.T


def reference(x, W_l0, b_l0, W_r0, W_l1, b_l1, W_r1, edge_index0, edge_index1):
    # layer 0: x_target = x[:size[1]]
    h = _sage_layer(x, x[:N1], edge_index0, W_l0, b_l0, W_r0, N1)
    h = jax.nn.relu(h)  # activation; dropout p=0.0 is identity
    # layer 1 (last layer: no activation/dropout)
    out = _sage_layer(h, h[:N2], edge_index1, W_l1, b_l1, W_r1, N2)
    return out

if __name__ == "__main__":
    import jax
    _d = setup_inputs()
    print(jax.jit(kernel)(*tuple(_d.values())))

</pallas_src>

<mosaic_0001>
#map = affine_map<(d0, d1) -> (0, 0)>
#map1 = affine_map<(d0, d1) -> (0, 0, 0)>
module attributes {stable_mosaic.version = 14 : i64} {
  func.func @agg(%arg0: i32, %arg1: i32, %arg2: memref<10000x144xf32, #tpu.memory_space<hbm>>, %arg3: memref<2560x128xi32, #tpu.memory_space<hbm>>, %arg4: memref<2560x128xi32, #tpu.memory_space<hbm>>, %arg5: memref<2048x144xf32, #tpu.memory_space<hbm>>, %arg6: memref<2x2048x144xf32, #tpu.memory_space<hbm>>, %arg7: memref<80x128xi32, #tpu.memory_space<vmem>>, %arg8: memref<80x128xi32, #tpu.memory_space<vmem>>, %arg9: memref<128x144xf32, #tpu.memory_space<vmem>>, %arg10: memref<128x144xf32, #tpu.memory_space<vmem>>, %arg11: memref<128x144xf32, #tpu.memory_space<vmem>>, %arg12: memref<128x144xf32, #tpu.memory_space<vmem>>, %arg13: memref<2048x144xf32, #tpu.memory_space<vmem_shared>>, %arg14: memref<!tpu.dma_semaphore, #tpu.memory_space<semaphore_mem>>, %arg15: memref<!tpu.dma_semaphore, #tpu.memory_space<semaphore_mem>>, %arg16: memref<!tpu.dma_semaphore, #tpu.memory_space<semaphore_mem>>, %arg17: memref<!tpu.dma_semaphore, #tpu.memory_space<semaphore_mem>>) attributes {dimension_semantics = [#tpu.dimension_semantics<core_parallel>, #tpu.dimension_semantics<subcore_parallel>], iteration_bounds = array<i64: 2, 16>, scalar_prefetch = 0 : i64, scratch_operands = 11 : i64, tpu.core_type = #tpu.core_type<sc_vector_subcore>, window_params = [{transform_indices = #map}, {transform_indices = #map}, {transform_indices = #map}, {transform_indices = #map}, {transform_indices = #map1}]} {
    %mul3A = arith.constant 2 : i32
    %mul3A_0 = arith.muli %arg1, %mul3A : i32
    %add3A = arith.addi %mul3A_0, %arg0 : i32
    %mul3A_1 = arith.constant 128 : i32
    %mul3A_2 = arith.muli %arg1, %mul3A_1 : i32
    %mul3A_3 = arith.constant 128 : i32
    %mul3A_4 = arith.muli %arg1, %mul3A_3 : i32
    "tpu.region"() ({
      %run_scoped3A_76 = tpu.sem_alloc : memref<!tpu.dma_semaphore, #tpu.memory_space<semaphore_mem>>
      %dma_start3A_77 = arith.constant 0 : i32
      %dma_start3A_78 = tpu.memref_slice %arg13[%mul3A_4, %dma_start3A_77] : memref<2048x144xf32, #tpu.memory_space<vmem_shared>> -> memref<128x144xf32, #tpu.memory_space<vmem_shared>>
      %dma_start3A_79 = arith.constant 0 : i32
      %dma_start3A_80 = tpu.memref_slice %arg5[%mul3A_2, %dma_start3A_79] : memref<2048x144xf32, #tpu.memory_space<hbm>> -> memref<128x144xf32, #tpu.memory_space<hbm>>
      tpu.enqueue_dma source(%dma_start3A_80 : memref<128x144xf32, #tpu.memory_space<hbm>>) target(%dma_start3A_78 : memref<128x144xf32, #tpu.memory_space<vmem_shared>>) target_semaphore(%run_scoped3A_76 : memref<!tpu.dma_semaphore, #tpu.memory_space<semaphore_mem>>)
      %dma_wait3A_81 = arith.constant 0 : i32
      %dma_wait3A_82 = tpu.memref_slice %arg13[%mul3A_4, %dma_wait3A_81] : memref<2048x144xf32, #tpu.memory_space<vmem_shared>> -> memref<128x144xf32, #tpu.memory_space<vmem_shared>>
      %dma_wait3A_83 = arith.constant 0 : i32
      %dma_wait3A_84 = tpu.memref_slice %arg5[%mul3A_2, %dma_wait3A_83] : memref<2048x144xf32, #tpu.memory_space<hbm>> -> memref<128x144xf32, #tpu.memory_space<hbm>>
      tpu.wait_dma2 semaphore(%run_scoped3A_76 : memref<!tpu.dma_semaphore, #tpu.memory_space<semaphore_mem>>) src(%dma_wait3A_84 : memref<128x144xf32, #tpu.memory_space<hbm>>) dst(%dma_wait3A_82 : memref<128x144xf32, #tpu.memory_space<vmem_shared>>)
      tpu.yield
    }) : () -> ()
    %mul3A_5 = arith.constant 80 : i32
    %mul3A_6 = arith.muli %add3A, %mul3A_5 : i32
    "tpu.region"() ({
      %run_scoped3A_76 = tpu.sem_alloc : memref<!tpu.dma_semaphore, #tpu.memory_space<semaphore_mem>>
      %dma_start3A_77 = arith.constant 0 : i32
      %dma_start3A_78 = tpu.memref_slice %arg3[%mul3A_6, %dma_start3A_77] : memref<2560x128xi32, #tpu.memory_space<hbm>> -> memref<80x128xi32, #tpu.memory_space<hbm>>
      %dma_start3A_79 = arith.constant 0 : i32
      %dma_start3A_80 = tpu.memref_slice %arg3[%mul3A_6, %dma_start3A_79] : memref<2560x128xi32, #tpu.memory_space<hbm>> -> memref<80x128xi32, #tpu.memory_space<hbm>>
      tpu.enqueue_dma source(%dma_start3A_80 : memref<80x128xi32, #tpu.memory_space<hbm>>) target(%arg7 : memref<80x128xi32, #tpu.memory_space<vmem>>) target_semaphore(%run_scoped3A_76 : memref<!tpu.dma_semaphore, #tpu.memory_space<semaphore_mem>>)
      %dma_wait3A_81 = arith.constant 0 : i32
      %dma_wait3A_82 = tpu.memref_slice %arg3[%mul3A_6, %dma_wait3A_81] : memref<2560x128xi32, #tpu.memory_space<hbm>> -> memref<80x128xi32, #tpu.memory_space<hbm>>
      %dma_wait3A_83 = arith.constant 0 : i32
      %dma_wait3A_84 = tpu.memref_slice %arg3[%mul3A_6, %dma_wait3A_83] : memref<2560x128xi32, #tpu.memory_space<hbm>> -> memref<80x128xi32, #tpu.memory_space<hbm>>
      tpu.wait_dma2 semaphore(%run_scoped3A_76 : memref<!tpu.dma_semaphore, #tpu.memory_space<semaphore_mem>>) src(%dma_wait3A_84 : memref<80x128xi32, #tpu.memory_space<hbm>>) dst(%arg7 : memref<80x128xi32, #tpu.memory_space<vmem>>)
      tpu.yield
    }) : () -> ()
    %mul3A_7 = arith.constant 80 : i32
    %mul3A_8 = arith.muli %add3A, %mul3A_7 : i32
    "tpu.region"() ({
      %run_scoped3A_76 = tpu.sem_alloc : memref<!tpu.dma_semaphore, #tpu.memory_space<semaphore_mem>>
      %dma_start3A_77 = arith.constant 0 : i32
      %dma_start3A_78 = tpu.memref_slice %arg4[%mul3A_8, %dma_start3A_77] : memref<2560x128xi32, #tpu.memory_space<hbm>> -> memref<80x128xi32, #tpu.memory_space<hbm>>
      %dma_start3A_79 = arith.constant 0 : i32
      %dma_start3A_80 = tpu.memref_slice %arg4[%mul3A_8, %dma_start3A_79] : memref<2560x128xi32, #tpu.memory_space<hbm>> -> memref<80x128xi32, #tpu.memory_space<hbm>>
      tpu.enqueue_dma source(%dma_start3A_80 : memref<80x128xi32, #tpu.memory_space<hbm>>) target(%arg8 : memref<80x128xi32, #tpu.memory_space<vmem>>) target_semaphore(%run_scoped3A_76 : memref<!tpu.dma_semaphore, #tpu.memory_space<semaphore_mem>>)
      %dma_wait3A_81 = arith.constant 0 : i32
      %dma_wait3A_82 = tpu.memref_slice %arg4[%mul3A_8, %dma_wait3A_81] : memref<2560x128xi32, #tpu.memory_space<hbm>> -> memref<80x128xi32, #tpu.memory_space<hbm>>
      %dma_wait3A_83 = arith.constant 0 : i32
      %dma_wait3A_84 = tpu.memref_slice %arg4[%mul3A_8, %dma_wait3A_83] : memref<2560x128xi32, #tpu.memory_space<hbm>> -> memref<80x128xi32, #tpu.memory_space<hbm>>
      tpu.wait_dma2 semaphore(%run_scoped3A_76 : memref<!tpu.dma_semaphore, #tpu.memory_space<semaphore_mem>>) src(%dma_wait3A_84 : memref<80x128xi32, #tpu.memory_space<hbm>>) dst(%arg8 : memref<80x128xi32, #tpu.memory_space<vmem>>)
      tpu.yield
    }) : () -> ()
    %barrier3A = arith.constant 0 : index
    tpu.barrier barrier_id(%barrier3A)
    %dma_start3A = arith.constant 0 : i32
    %dma_start3A_9 = arith.constant 0 : i32
    %dma_start3A_10 = tpu.memref_slice %arg7[%dma_start3A, %dma_start3A_9] : memref<80x128xi32, #tpu.memory_space<vmem>> -> memref<1x128xi32, #tpu.memory_space<vmem>>
    %dma_start3A_11 = tpu.memref_squeeze %dma_start3A_10 : memref<1x128xi32, #tpu.memory_space<vmem>> -> memref<128xi32, #tpu.memory_space<vmem>>
    %dma_start3A_12 = arith.constant 0 : i32
    %dma_start3A_13 = arith.constant 0 : i32
    %dma_start3A_14 = tpu.memref_slice %arg2[%dma_start3A_12, %dma_start3A_13] : memref<10000x144xf32, #tpu.memory_space<hbm>> -> memref<10000x144xf32, #tpu.memory_space<hbm>>
    tpu.enqueue_indirect_dma source(%dma_start3A_14 : memref<10000x144xf32, #tpu.memory_space<hbm>>) target(%arg9 : memref<128x144xf32, #tpu.memory_space<vmem>>) offsets(%dma_start3A_11 : memref<128xi32, #tpu.memory_space<vmem>>) semaphore(%arg14 : memref<!tpu.dma_semaphore, #tpu.memory_space<semaphore_mem>>)
    %dma_start3A_15 = arith.constant 1 : i32
    %dma_start3A_16 = arith.constant 0 : i32
    %dma_start3A_17 = tpu.memref_slice %arg7[%dma_start3A_15, %dma_start3A_16] : memref<80x128xi32, #tpu.memory_space<vmem>> -> memref<1x128xi32, #tpu.memory_space<vmem>>
    %dma_start3A_18 = tpu.memref_squeeze %dma_start3A_17 : memref<1x128xi32, #tpu.memory_space<vmem>> -> memref<128xi32, #tpu.memory_space<vmem>>
    %dma_start3A_19 = arith.constant 0 : i32
    %dma_start3A_20 = arith.constant 0 : i32
    %dma_start3A_21 = tpu.memref_slice %arg2[%dma_start3A_19, %dma_start3A_20] : memref<10000x144xf32, #tpu.memory_space<hbm>> -> memref<10000x144xf32, #tpu.memory_space<hbm>>
    tpu.enqueue_indirect_dma source(%dma_start3A_21 : memref<10000x144xf32, #tpu.memory_space<hbm>>) target(%arg10 : memref<128x144xf32, #tpu.memory_space<vmem>>) offsets(%dma_start3A_18 : memref<128xi32, #tpu.memory_space<vmem>>) semaphore(%arg15 : memref<!tpu.dma_semaphore, #tpu.memory_space<semaphore_mem>>)
    %dma_start3A_22 = arith.constant 2 : i32
    %dma_start3A_23 = arith.constant 0 : i32
    %dma_start3A_24 = tpu.memref_slice %arg7[%dma_start3A_22, %dma_start3A_23] : memref<80x128xi32, #tpu.memory_space<vmem>> -> memref<1x128xi32, #tpu.memory_space<vmem>>
    %dma_start3A_25 = tpu.memref_squeeze %dma_start3A_24 : memref<1x128xi32, #tpu.memory_space<vmem>> -> memref<128xi32, #tpu.memory_space<vmem>>
    %dma_start3A_26 = arith.constant 0 : i32
    %dma_start3A_27 = arith.constant 0 : i32
    %dma_start3A_28 = tpu.memref_slice %arg2[%dma_start3A_26, %dma_start3A_27] : memref<10000x144xf32, #tpu.memory_space<hbm>> -> memref<10000x144xf32, #tpu.memory_space<hbm>>
    tpu.enqueue_indirect_dma source(%dma_start3A_28 : memref<10000x144xf32, #tpu.memory_space<hbm>>) target(%arg11 : memref<128x144xf32, #tpu.memory_space<vmem>>) offsets(%dma_start3A_25 : memref<128xi32, #tpu.memory_space<vmem>>) semaphore(%arg16 : memref<!tpu.dma_semaphore, #tpu.memory_space<semaphore_mem>>)
    %dma_start3A_29 = arith.constant 3 : i32
    %dma_start3A_30 = arith.constant 0 : i32
    %dma_start3A_31 = tpu.memref_slice %arg7[%dma_start3A_29, %dma_start3A_30] : memref<80x128xi32, #tpu.memory_space<vmem>> -> memref<1x128xi32, #tpu.memory_space<vmem>>
    %dma_start3A_32 = tpu.memref_squeeze %dma_start3A_31 : memref<1x128xi32, #tpu.memory_space<vmem>> -> memref<128xi32, #tpu.memory_space<vmem>>
    %dma_start3A_33 = arith.constant 0 : i32
    %dma_start3A_34 = arith.constant 0 : i32
    %dma_start3A_35 = tpu.memref_slice %arg2[%dma_start3A_33, %dma_start3A_34] : memref<10000x144xf32, #tpu.memory_space<hbm>> -> memref<10000x144xf32, #tpu.memory_space<hbm>>
    tpu.enqueue_indirect_dma source(%dma_start3A_35 : memref<10000x144xf32, #tpu.memory_space<hbm>>) target(%arg12 : memref<128x144xf32, #tpu.memory_space<vmem>>) offsets(%dma_start3A_32 : memref<128xi32, #tpu.memory_space<vmem>>) semaphore(%arg17 : memref<!tpu.dma_semaphore, #tpu.memory_space<semaphore_mem>>)
    %scan3A = arith.constant 0 : i32
    %scan3A_36 = arith.constant 0 : i32
    %scan3A_37 = arith.constant 19 : i32
    %scan3A_38 = arith.addi %scan3A_36, %scan3A_37 : i32
    %scan3A_39 = arith.constant 1 : i32
    scf.for %scan3A_76 = %scan3A_36 to %scan3A_38 step %scan3A_39  : i32 {
      %mul3A_77 = arith.constant 4 : i32
      %mul3A_78 = arith.muli %scan3A_76, %mul3A_77 : i32
      %dma_wait3A_79 = arith.constant 0 : i32
      %dma_wait3A_80 = arith.constant 0 : i32
      %dma_wait3A_81 = tpu.memref_slice %arg7[%dma_wait3A_79, %dma_wait3A_80] : memref<80x128xi32, #tpu.memory_space<vmem>> -> memref<1x128xi32, #tpu.memory_space<vmem>>
      %dma_wait3A_82 = tpu.memref_squeeze %dma_wait3A_81 : memref<1x128xi32, #tpu.memory_space<vmem>> -> memref<128xi32, #tpu.memory_space<vmem>>
      %dma_wait3A_83 = arith.constant 0 : i32
      %dma_wait3A_84 = arith.constant 0 : i32
      %dma_wait3A_85 = tpu.memref_slice %arg2[%dma_wait3A_83, %dma_wait3A_84] : memref<10000x144xf32, #tpu.memory_space<hbm>> -> memref<10000x144xf32, #tpu.memory_space<hbm>>
      tpu.wait_indirect_dma semaphore(%arg14 : memref<!tpu.dma_semaphore, #tpu.memory_space<semaphore_mem>>) src(%dma_wait3A_85 : memref<10000x144xf32, #tpu.memory_space<hbm>>) dst(%arg9 : memref<128x144xf32, #tpu.memory_space<vmem>>)
      %add3A_86 = arith.constant 0 : i32
      %add3A_87 = arith.addi %mul3A_78, %add3A_86 : i32
      "tpu.region"() ({
        %run_scoped3A_155 = tpu.sem_alloc : memref<!tpu.dma_semaphore, #tpu.memory_space<semaphore_mem>>
        %dma_start3A_156 = arith.constant 0 : i32
        %dma_start3A_157 = tpu.memref_slice %arg8[%add3A_87, %dma_start3A_156] : memref<80x128xi32, #tpu.memory_space<vmem>> -> memref<1x128xi32, #tpu.memory_space<vmem>>
        %dma_start3A_158 = tpu.memref_squeeze %dma_start3A_157 : memref<1x128xi32, #tpu.memory_space<vmem>> -> memref<128xi32, #tpu.memory_space<vmem>>
        %dma_start3A_159 = arith.constant 0 : i32
        %dma_start3A_160 = arith.constant 0 : i32
        %dma_start3A_161 = tpu.memref_slice %arg13[%dma_start3A_159, %dma_start3A_160] : memref<2048x144xf32, #tpu.memory_space<vmem_shared>> -> memref<2048x144xf32, #tpu.memory_space<vmem_shared>>
        tpu.enqueue_indirect_dma source(%arg9 : memref<128x144xf32, #tpu.memory_space<vmem>>) target(%dma_start3A_161 : memref<2048x144xf32, #tpu.memory_space<vmem_shared>>) offsets(%dma_start3A_158 : memref<128xi32, #tpu.memory_space<vmem>>) semaphore(%run_scoped3A_155 : memref<!tpu.dma_semaphore, #tpu.memory_space<semaphore_mem>>) {add = true}
        %dma_wait3A_162 = arith.constant 0 : i32
        %dma_wait3A_163 = tpu.memref_slice %arg8[%add3A_87, %dma_wait3A_162] : memref<80x128xi32, #tpu.memory_space<vmem>> -> memref<1x128xi32, #tpu.memory_space<vmem>>
        %dma_wait3A_164 = tpu.memref_squeeze %dma_wait3A_163 : memref<1x128xi32, #tpu.memory_space<vmem>> -> memref<128xi32, #tpu.memory_space<vmem>>
        %dma_wait3A_165 = arith.constant 0 : i32
        %dma_wait3A_166 = arith.constant 0 : i32
        %dma_wait3A_167 = tpu.memref_slice %arg13[%dma_wait3A_165, %dma_wait3A_166] : memref<2048x144xf32, #tpu.memory_space<vmem_shared>> -> memref<2048x144xf32, #tpu.memory_space<vmem_shared>>
        tpu.wait_indirect_dma semaphore(%run_scoped3A_155 : memref<!tpu.dma_semaphore, #tpu.memory_space<semaphore_mem>>) src(%arg9 : memref<128x144xf32, #tpu.memory_space<vmem>>) dst(%dma_wait3A_167 : memref<2048x144xf32, #tpu.memory_space<vmem_shared>>)
        tpu.yield
      }) : () -> ()
      %add3A_88 = arith.constant 4 : i32
      %add3A_89 = arith.addi %mul3A_78, %add3A_88 : i32
      %add3A_90 = arith.constant 0 : i32
      %add3A_91 = arith.addi %add3A_89, %add3A_90 : i32
      %dma_start3A_92 = arith.constant 0 : i32
      %dma_start3A_93 = tpu.memref_slice %arg7[%add3A_91, %dma_start3A_92] : memref<80x128xi32, #tpu.memory_space<vmem>> -> memref<1x128xi32, #tpu.memory_space<vmem>>
      %dma_start3A_94 = tpu.memref_squeeze %dma_start3A_93 : memref<1x128xi32, #tpu.memory_space<vmem>> -> memref<128xi32, #tpu.memory_space<vmem>>
      %dma_start3A_95 = arith.constant 0 : i32
      %dma_start3A_96 = arith.constant 0 : i32
      %dma_start3A_97 = tpu.memref_slice %arg2[%dma_start3A_95, %dma_start3A_96] : memref<10000x144xf32, #tpu.memory_space<hbm>> -> memref<10000x144xf32, #tpu.memory_space<hbm>>
      tpu.enqueue_indirect_dma source(%dma_start3A_97 : memref<10000x144xf32, #tpu.memory_space<hbm>>) target(%arg9 : memref<128x144xf32, #tpu.memory_space<vmem>>) offsets(%dma_start3A_94 : memref<128xi32, #tpu.memory_space<vmem>>) semaphore(%arg14 : memref<!tpu.dma_semaphore, #tpu.memory_space<semaphore_mem>>)
      %dma_wait3A_98 = arith.constant 0 : i32
      %dma_wait3A_99 = arith.constant 0 : i32
      %dma_wait3A_100 = tpu.memref_slice %arg7[%dma_wait3A_98, %dma_wait3A_99] : memref<80x128xi32, #tpu.memory_space<vmem>> -> memref<1x128xi32, #tpu.memory_space<vmem>>
      %dma_wait3A_101 = tpu.memref_squeeze %dma_wait3A_100 : memref<1x128xi32, #tpu.memory_space<vmem>> -> memref<128xi32, #tpu.memory_space<vmem>>
      %dma_wait3A_102 = arith.constant 0 : i32
      %dma_wait3A_103 = arith.constant 0 : i32
      %dma_wait3A_104 = tpu.memref_slice %arg2[%dma_wait3A_102, %dma_wait3A_103] : memref<10000x144xf32, #tpu.memory_space<hbm>> -> memref<10000x144xf32, #tpu.memory_space<hbm>>
      tpu.wait_indirect_dma semaphore(%arg15 : memref<!tpu.dma_semaphore, #tpu.memory_space<semaphore_mem>>) src(%dma_wait3A_104 : memref<10000x144xf32, #tpu.memory_space<hbm>>) dst(%arg10 : memref<128x144xf32, #tpu.memory_space<vmem>>)
      %add3A_105 = arith.constant 1 : i32
      %add3A_106 = arith.addi %mul3A_78, %add3A_105 : i32
      "tpu.region"() ({
        %run_scoped3A_155 = tpu.sem_alloc : memref<!tpu.dma_semaphore, #tpu.memory_space<semaphore_mem>>
        %dma_start3A_156 = arith.constant 0 : i32
        %dma_start3A_157 = tpu.memref_slice %arg8[%add3A_106, %dma_start3A_156] : memref<80x128xi32, #tpu.memory_space<vmem>> -> memref<1x128xi32, #tpu.memory_space<vmem>>
        %dma_start3A_158 = tpu.memref_squeeze %dma_start3A_157 : memref<1x128xi32, #tpu.memory_space<vmem>> -> memref<128xi32, #tpu.memory_space<vmem>>
        %dma_start3A_159 = arith.constant 0 : i32
        %dma_start3A_160 = arith.constant 0 : i32
        %dma_start3A_161 = tpu.memref_slice %arg13[%dma_start3A_159, %dma_start3A_160] : memref<2048x144xf32, #tpu.memory_space<vmem_shared>> -> memref<2048x144xf32, #tpu.memory_space<vmem_shared>>
        tpu.enqueue_indirect_dma source(%arg10 : memref<128x144xf32, #tpu.memory_space<vmem>>) target(%dma_start3A_161 : memref<2048x144xf32, #tpu.memory_space<vmem_shared>>) offsets(%dma_start3A_158 : memref<128xi32, #tpu.memory_space<vmem>>) semaphore(%run_scoped3A_155 : memref<!tpu.dma_semaphore, #tpu.memory_space<semaphore_mem>>) {add = true}
        %dma_wait3A_162 = arith.constant 0 : i32
        %dma_wait3A_163 = tpu.memref_slice %arg8[%add3A_106, %dma_wait3A_162] : memref<80x128xi32, #tpu.memory_space<vmem>> -> memref<1x128xi32, #tpu.memory_space<vmem>>
        %dma_wait3A_164 = tpu.memref_squeeze %dma_wait3A_163 : memref<1x128xi32, #tpu.memory_space<vmem>> -> memref<128xi32, #tpu.memory_space<vmem>>
        %dma_wait3A_165 = arith.constant 0 : i32
        %dma_wait3A_166 = arith.constant 0 : i32
        %dma_wait3A_167 = tpu.memref_slice %arg13[%dma_wait3A_165, %dma_wait3A_166] : memref<2048x144xf32, #tpu.memory_space<vmem_shared>> -> memref<2048x144xf32, #tpu.memory_space<vmem_shared>>
        tpu.wait_indirect_dma semaphore(%run_scoped3A_155 : memref<!tpu.dma_semaphore, #tpu.memory_space<semaphore_mem>>) src(%arg10 : memref<128x144xf32, #tpu.memory_space<vmem>>) dst(%dma_wait3A_167 : memref<2048x144xf32, #tpu.memory_space<vmem_shared>>)
        tpu.yield
      }) : () -> ()
      %add3A_107 = arith.constant 4 : i32
      %add3A_108 = arith.addi %mul3A_78, %add3A_107 : i32
      %add3A_109 = arith.constant 1 : i32
      %add3A_110 = arith.addi %add3A_108, %add3A_109 : i32
      %dma_start3A_111 = arith.constant 0 : i32
      %dma_start3A_112 = tpu.memref_slice %arg7[%add3A_110, %dma_start3A_111] : memref<80x128xi32, #tpu.memory_space<vmem>> -> memref<1x128xi32, #tpu.memory_space<vmem>>
      %dma_start3A_113 = tpu.memref_squeeze %dma_start3A_112 : memref<1x128xi32, #tpu.memory_space<vmem>> -> memref<128xi32, #tpu.memory_space<vmem>>
      %dma_start3A_114 = arith.constant 0 : i32
      %dma_start3A_115 = arith.constant 0 : i32
      %dma_start3A_116 = tpu.memref_slice %arg2[%dma_start3A_114, %dma_start3A_115] : memref<10000x144xf32, #tpu.memory_space<hbm>> -> memref<10000x144xf32, #tpu.memory_space<hbm>>
      tpu.enqueue_indirect_dma source(%dma_start3A_116 : memref<10000x144xf32, #tpu.memory_space<hbm>>) target(%arg10 : memref<128x144xf32, #tpu.memory_space<vmem>>) offsets(%dma_start3A_113 : memref<128xi32, #tpu.memory_space<vmem>>) semaphore(%arg15 : memref<!tpu.dma_semaphore, #tpu.memory_space<semaphore_mem>>)
      %dma_wait3A_117 = arith.constant 0 : i32
      %dma_wait3A_118 = arith.constant 0 : i32
      %dma_wait3A_119 = tpu.memref_slice %arg7[%dma_wait3A_117, %dma_wait3A_118] : memref<80x128xi32, #tpu.memory_space<vmem>> -> memref<1x128xi32, #tpu.memory_space<vmem>>
      %dma_wait3A_120 = tpu.memref_squeeze %dma_wait3A_119 : memref<1x128xi32, #tpu.memory_space<vmem>> -> memref<128xi32, #tpu.memory_space<vmem>>
      %dma_wait3A_121 = arith.constant 0 : i32
      %dma_wait3A_122 = arith.constant 0 : i32
      %dma_wait3A_123 = tpu.memref_slice %arg2[%dma_wait3A_121, %dma_wait3A_122] : memref<10000x144xf32, #tpu.memory_space<hbm>> -> memref<10000x144xf32, #tpu.memory_space<hbm>>
      tpu.wait_indirect_dma semaphore(%arg16 : memref<!tpu.dma_semaphore, #tpu.memory_space<semaphore_mem>>) src(%dma_wait3A_123 : memref<10000x144xf32, #tpu.memory_space<hbm>>) dst(%arg11 : memref<128x144xf32, #tpu.memory_space<vmem>>)
      %add3A_124 = arith.constant 2 : i32
      %add3A_125 = arith.addi %mul3A_78, %add3A_124 : i32
      "tpu.region"() ({
        %run_scoped3A_155 = tpu.sem_alloc : memref<!tpu.dma_semaphore, #tpu.memory_space<semaphore_mem>>
        %dma_start3A_156 = arith.constant 0 : i32
        %dma_start3A_157 = tpu.memref_slice %arg8[%add3A_125, %dma_start3A_156] : memref<80x128xi32, #tpu.memory_space<vmem>> -> memref<1x128xi32, #tpu.memory_space<vmem>>
        %dma_start3A_158 = tpu.memref_squeeze %dma_start3A_157 : memref<1x128xi32, #tpu.memory_space<vmem>> -> memref<128xi32, #tpu.memory_space<vmem>>
        %dma_start3A_159 = arith.constant 0 : i32
        %dma_start3A_160 = arith.constant 0 : i32
        %dma_start3A_161 = tpu.memref_slice %arg13[%dma_start3A_159, %dma_start3A_160] : memref<2048x144xf32, #tpu.memory_space<vmem_shared>> -> memref<2048x144xf32, #tpu.memory_space<vmem_shared>>
        tpu.enqueue_indirect_dma source(%arg11 : memref<128x144xf32, #tpu.memory_space<vmem>>) target(%dma_start3A_161 : memref<2048x144xf32, #tpu.memory_space<vmem_shared>>) offsets(%dma_start3A_158 : memref<128xi32, #tpu.memory_space<vmem>>) semaphore(%run_scoped3A_155 : memref<!tpu.dma_semaphore, #tpu.memory_space<semaphore_mem>>) {add = true}
        %dma_wait3A_162 = arith.constant 0 : i32
        %dma_wait3A_163 = tpu.memref_slice %arg8[%add3A_125, %dma_wait3A_162] : memref<80x128xi32, #tpu.memory_space<vmem>> -> memref<1x128xi32, #tpu.memory_space<vmem>>
        %dma_wait3A_164 = tpu.memref_squeeze %dma_wait3A_163 : memref<1x128xi32, #tpu.memory_space<vmem>> -> memref<128xi32, #tpu.memory_space<vmem>>
        %dma_wait3A_165 = arith.constant 0 : i32
        %dma_wait3A_166 = arith.constant 0 : i32
        %dma_wait3A_167 = tpu.memref_slice %arg13[%dma_wait3A_165, %dma_wait3A_166] : memref<2048x144xf32, #tpu.memory_space<vmem_shared>> -> memref<2048x144xf32, #tpu.memory_space<vmem_shared>>
        tpu.wait_indirect_dma semaphore(%run_scoped3A_155 : memref<!tpu.dma_semaphore, #tpu.memory_space<semaphore_mem>>) src(%arg11 : memref<128x144xf32, #tpu.memory_space<vmem>>) dst(%dma_wait3A_167 : memref<2048x144xf32, #tpu.memory_space<vmem_shared>>)
        tpu.yield
      }) : () -> ()
      %add3A_126 = arith.constant 4 : i32
      %add3A_127 = arith.addi %mul3A_78, %add3A_126 : i32
      %add3A_128 = arith.constant 2 : i32
      %add3A_129 = arith.addi %add3A_127, %add3A_128 : i32
      %dma_start3A_130 = arith.constant 0 : i32
      %dma_start3A_131 = tpu.memref_slice %arg7[%add3A_129, %dma_start3A_130] : memref<80x128xi32, #tpu.memory_space<vmem>> -> memref<1x128xi32, #tpu.memory_space<vmem>>
      %dma_start3A_132 = tpu.memref_squeeze %dma_start3A_131 : memref<1x128xi32, #tpu.memory_space<vmem>> -> memref<128xi32, #tpu.memory_space<vmem>>
      %dma_start3A_133 = arith.constant 0 : i32
      %dma_start3A_134 = arith.constant 0 : i32
      %dma_start3A_135 = tpu.memref_slice %arg2[%dma_start3A_133, %dma_start3A_134] : memref<10000x144xf32, #tpu.memory_space<hbm>> -> memref<10000x144xf32, #tpu.memory_space<hbm>>
      tpu.enqueue_indirect_dma source(%dma_start3A_135 : memref<10000x144xf32, #tpu.memory_space<hbm>>) target(%arg11 : memref<128x144xf32, #tpu.memory_space<vmem>>) offsets(%dma_start3A_132 : memref<128xi32, #tpu.memory_space<vmem>>) semaphore(%arg16 : memref<!tpu.dma_semaphore, #tpu.memory_space<semaphore_mem>>)
      %dma_wait3A_136 = arith.constant 0 : i32
      %dma_wait3A_137 = arith.constant 0 : i32
      %dma_wait3A_138 = tpu.memref_slice %arg7[%dma_wait3A_136, %dma_wait3A_137] : memref<80x128xi32, #tpu.memory_space<vmem>> -> memref<1x128xi32, #tpu.memory_space<vmem>>
      %dma_wait3A_139 = tpu.memref_squeeze %dma_wait3A_138 : memref<1x128xi32, #tpu.memory_space<vmem>> -> memref<128xi32, #tpu.memory_space<vmem>>
      %dma_wait3A_140 = arith.constant 0 : i32
      %dma_wait3A_141 = arith.constant 0 : i32
      %dma_wait3A_142 = tpu.memref_slice %arg2[%dma_wait3A_140, %dma_wait3A_141] : memref<10000x144xf32, #tpu.memory_space<hbm>> -> memref<10000x144xf32, #tpu.memory_space<hbm>>
      tpu.wait_indirect_dma semaphore(%arg17 : memref<!tpu.dma_semaphore, #tpu.memory_space<semaphore_mem>>) src(%dma_wait3A_142 : memref<10000x144xf32, #tpu.memory_space<hbm>>) dst(%arg12 : memref<128x144xf32, #tpu.memory_space<vmem>>)
      %add3A_143 = arith.constant 3 : i32
      %add3A_144 = arith.addi %mul3A_78, %add3A_143 : i32
      "tpu.region"() ({
        %run_scoped3A_155 = tpu.sem_alloc : memref<!tpu.dma_semaphore, #tpu.memory_space<semaphore_mem>>
        %dma_start3A_156 = arith.constant 0 : i32
        %dma_start3A_157 = tpu.memref_slice %arg8[%add3A_144, %dma_start3A_156] : memref<80x128xi32, #tpu.memory_space<vmem>> -> memref<1x128xi32, #tpu.memory_space<vmem>>
        %dma_start3A_158 = tpu.memref_squeeze %dma_start3A_157 : memref<1x128xi32, #tpu.memory_space<vmem>> -> memref<128xi32, #tpu.memory_space<vmem>>
        %dma_start3A_159 = arith.constant 0 : i32
        %dma_start3A_160 = arith.constant 0 : i32
        %dma_start3A_161 = tpu.memref_slice %arg13[%dma_start3A_159, %dma_start3A_160] : memref<2048x144xf32, #tpu.memory_space<vmem_shared>> -> memref<2048x144xf32, #tpu.memory_space<vmem_shared>>
        tpu.enqueue_indirect_dma source(%arg12 : memref<128x144xf32, #tpu.memory_space<vmem>>) target(%dma_start3A_161 : memref<2048x144xf32, #tpu.memory_space<vmem_shared>>) offsets(%dma_start3A_158 : memref<128xi32, #tpu.memory_space<vmem>>) semaphore(%run_scoped3A_155 : memref<!tpu.dma_semaphore, #tpu.memory_space<semaphore_mem>>) {add = true}
        %dma_wait3A_162 = arith.constant 0 : i32
        %dma_wait3A_163 = tpu.memref_slice %arg8[%add3A_144, %dma_wait3A_162] : memref<80x128xi32, #tpu.memory_space<vmem>> -> memref<1x128xi32, #tpu.memory_space<vmem>>
        %dma_wait3A_164 = tpu.memref_squeeze %dma_wait3A_163 : memref<1x128xi32, #tpu.memory_space<vmem>> -> memref<128xi32, #tpu.memory_space<vmem>>
        %dma_wait3A_165 = arith.constant 0 : i32
        %dma_wait3A_166 = arith.constant 0 : i32
        %dma_wait3A_167 = tpu.memref_slice %arg13[%dma_wait3A_165, %dma_wait3A_166] : memref<2048x144xf32, #tpu.memory_space<vmem_shared>> -> memref<2048x144xf32, #tpu.memory_space<vmem_shared>>
        tpu.wait_indirect_dma semaphore(%run_scoped3A_155 : memref<!tpu.dma_semaphore, #tpu.memory_space<semaphore_mem>>) src(%arg12 : memref<128x144xf32, #tpu.memory_space<vmem>>) dst(%dma_wait3A_167 : memref<2048x144xf32, #tpu.memory_space<vmem_shared>>)
        tpu.yield
      }) : () -> ()
      %add3A_145 = arith.constant 4 : i32
      %add3A_146 = arith.addi %mul3A_78, %add3A_145 : i32
      %add3A_147 = arith.constant 3 : i32
      %add3A_148 = arith.addi %add3A_146, %add3A_147 : i32
      %dma_start3A_149 = arith.constant 0 : i32
      %dma_start3A_150 = tpu.memref_slice %arg7[%add3A_148, %dma_start3A_149] : memref<80x128xi32, #tpu.memory_space<vmem>> -> memref<1x128xi32, #tpu.memory_space<vmem>>
      %dma_start3A_151 = tpu.memref_squeeze %dma_start3A_150 : memref<1x128xi32, #tpu.memory_space<vmem>> -> memref<128xi32, #tpu.memory_space<vmem>>
      %dma_start3A_152 = arith.constant 0 : i32
      %dma_start3A_153 = arith.constant 0 : i32
      %dma_start3A_154 = tpu.memref_slice %arg2[%dma_start3A_152, %dma_start3A_153] : memref<10000x144xf32, #tpu.memory_space<hbm>> -> memref<10000x144xf32, #tpu.memory_space<hbm>>
      tpu.enqueue_indirect_dma source(%dma_start3A_154 : memref<10000x144xf32, #tpu.memory_space<hbm>>) target(%arg12 : memref<128x144xf32, #tpu.memory_space<vmem>>) offsets(%dma_start3A_151 : memref<128xi32, #tpu.memory_space<vmem>>) semaphore(%arg17 : memref<!tpu.dma_semaphore, #tpu.memory_space<semaphore_mem>>)
    }
    %scan3A_40 = arith.constant 19 : i32
    %dma_wait3A = arith.constant 0 : i32
    %dma_wait3A_41 = arith.constant 0 : i32
    %dma_wait3A_42 = tpu.memref_slice %arg7[%dma_wait3A, %dma_wait3A_41] : memref<80x128xi32, #tpu.memory_space<vmem>> -> memref<1x128xi32, #tpu.memory_space<vmem>>
    %dma_wait3A_43 = tpu.memref_squeeze %dma_wait3A_42 : memref<1x128xi32, #tpu.memory_space<vmem>> -> memref<128xi32, #tpu.memory_space<vmem>>
    %dma_wait3A_44 = arith.constant 0 : i32
    %dma_wait3A_45 = arith.constant 0 : i32
    %dma_wait3A_46 = tpu.memref_slice %arg2[%dma_wait3A_44, %dma_wait3A_45] : memref<10000x144xf32, #tpu.memory_space<hbm>> -> memref<10000x144xf32, #tpu.memory_space<hbm>>
    tpu.wait_indirect_dma semaphore(%arg14 : memref<!tpu.dma_semaphore, #tpu.memory_space<semaphore_mem>>) src(%dma_wait3A_46 : memref<10000x144xf32, #tpu.memory_space<hbm>>) dst(%arg9 : memref<128x144xf32, #tpu.memory_space<vmem>>)
    %run_scoped3A = arith.constant 76 : i32
    "tpu.region"() ({
      %run_scoped3A_76 = tpu.sem_alloc : memref<!tpu.dma_semaphore, #tpu.memory_space<semaphore_mem>>
      %dma_start3A_77 = arith.constant 0 : i32
      %dma_start3A_78 = tpu.memref_slice %arg8[%run_scoped3A, %dma_start3A_77] : memref<80x128xi32, #tpu.memory_space<vmem>> -> memref<1x128xi32, #tpu.memory_space<vmem>>
      %dma_start3A_79 = tpu.memref_squeeze %dma_start3A_78 : memref<1x128xi32, #tpu.memory_space<vmem>> -> memref<128xi32, #tpu.memory_space<vmem>>
      %dma_start3A_80 = arith.constant 0 : i32
      %dma_start3A_81 = arith.constant 0 : i32
      %dma_start3A_82 = tpu.memref_slice %arg13[%dma_start3A_80, %dma_start3A_81] : memref<2048x144xf32, #tpu.memory_space<vmem_shared>> -> memref<2048x144xf32, #tpu.memory_space<vmem_shared>>
      tpu.enqueue_indirect_dma source(%arg9 : memref<128x144xf32, #tpu.memory_space<vmem>>) target(%dma_start3A_82 : memref<2048x144xf32, #tpu.memory_space<vmem_shared>>) offsets(%dma_start3A_79 : memref<128xi32, #tpu.memory_space<vmem>>) semaphore(%run_scoped3A_76 : memref<!tpu.dma_semaphore, #tpu.memory_space<semaphore_mem>>) {add = true}
      %dma_wait3A_83 = arith.constant 0 : i32
      %dma_wait3A_84 = tpu.memref_slice %arg8[%run_scoped3A, %dma_wait3A_83] : memref<80x128xi32, #tpu.memory_space<vmem>> -> memref<1x128xi32, #tpu.memory_space<vmem>>
      %dma_wait3A_85 = tpu.memref_squeeze %dma_wait3A_84 : memref<1x128xi32, #tpu.memory_space<vmem>> -> memref<128xi32, #tpu.memory_space<vmem>>
      %dma_wait3A_86 = arith.constant 0 : i32
      %dma_wait3A_87 = arith.constant 0 : i32
      %dma_wait3A_88 = tpu.memref_slice %arg13[%dma_wait3A_86, %dma_wait3A_87] : memref<2048x144xf32, #tpu.memory_space<vmem_shared>> -> memref<2048x144xf32, #tpu.memory_space<vmem_shared>>
      tpu.wait_indirect_dma semaphore(%run_scoped3A_76 : memref<!tpu.dma_semaphore, #tpu.memory_space<semaphore_mem>>) src(%arg9 : memref<128x144xf32, #tpu.memory_space<vmem>>) dst(%dma_wait3A_88 : memref<2048x144xf32, #tpu.memory_space<vmem_shared>>)
      tpu.yield
    }) : () -> ()
    %dma_wait3A_47 = arith.constant 0 : i32
    %dma_wait3A_48 = arith.constant 0 : i32
    %dma_wait3A_49 = tpu.memref_slice %arg7[%dma_wait3A_47, %dma_wait3A_48] : memref<80x128xi32, #tpu.memory_space<vmem>> -> memref<1x128xi32, #tpu.memory_space<vmem>>
    %dma_wait3A_50 = tpu.memref_squeeze %dma_wait3A_49 : memref<1x128xi32, #tpu.memory_space<vmem>> -> memref<128xi32, #tpu.memory_space<vmem>>
    %dma_wait3A_51 = arith.constant 0 : i32
    %dma_wait3A_52 = arith.constant 0 : i32
    %dma_wait3A_53 = tpu.memref_slice %arg2[%dma_wait3A_51, %dma_wait3A_52] : memref<10000x144xf32, #tpu.memory_space<hbm>> -> memref<10000x144xf32, #tpu.memory_space<hbm>>
    tpu.wait_indirect_dma semaphore(%arg15 : memref<!tpu.dma_semaphore, #tpu.memory_space<semaphore_mem>>) src(%dma_wait3A_53 : memref<10000x144xf32, #tpu.memory_space<hbm>>) dst(%arg10 : memref<128x144xf32, #tpu.memory_space<vmem>>)
    %run_scoped3A_54 = arith.constant 77 : i32
    "tpu.region"() ({
      %run_scoped3A_76 = tpu.sem_alloc : memref<!tpu.dma_semaphore, #tpu.memory_space<semaphore_mem>>
      %dma_start3A_77 = arith.constant 0 : i32
      %dma_start3A_78 = tpu.memref_slice %arg8[%run_scoped3A_54, %dma_start3A_77] : memref<80x128xi32, #tpu.memory_space<vmem>> -> memref<1x128xi32, #tpu.memory_space<vmem>>
      %dma_start3A_79 = tpu.memref_squeeze %dma_start3A_78 : memref<1x128xi32, #tpu.memory_space<vmem>> -> memref<128xi32, #tpu.memory_space<vmem>>
      %dma_start3A_80 = arith.constant 0 : i32
      %dma_start3A_81 = arith.constant 0 : i32
      %dma_start3A_82 = tpu.memref_slice %arg13[%dma_start3A_80, %dma_start3A_81] : memref<2048x144xf32, #tpu.memory_space<vmem_shared>> -> memref<2048x144xf32, #tpu.memory_space<vmem_shared>>
      tpu.enqueue_indirect_dma source(%arg10 : memref<128x144xf32, #tpu.memory_space<vmem>>) target(%dma_start3A_82 : memref<2048x144xf32, #tpu.memory_space<vmem_shared>>) offsets(%dma_start3A_79 : memref<128xi32, #tpu.memory_space<vmem>>) semaphore(%run_scoped3A_76 : memref<!tpu.dma_semaphore, #tpu.memory_space<semaphore_mem>>) {add = true}
      %dma_wait3A_83 = arith.constant 0 : i32
      %dma_wait3A_84 = tpu.memref_slice %arg8[%run_scoped3A_54, %dma_wait3A_83] : memref<80x128xi32, #tpu.memory_space<vmem>> -> memref<1x128xi32, #tpu.memory_space<vmem>>
      %dma_wait3A_85 = tpu.memref_squeeze %dma_wait3A_84 : memref<1x128xi32, #tpu.memory_space<vmem>> -> memref<128xi32, #tpu.memory_space<vmem>>
      %dma_wait3A_86 = arith.constant 0 : i32
      %dma_wait3A_87 = arith.constant 0 : i32
      %dma_wait3A_88 = tpu.memref_slice %arg13[%dma_wait3A_86, %dma_wait3A_87] : memref<2048x144xf32, #tpu.memory_space<vmem_shared>> -> memref<2048x144xf32, #tpu.memory_space<vmem_shared>>
      tpu.wait_indirect_dma semaphore(%run_scoped3A_76 : memref<!tpu.dma_semaphore, #tpu.memory_space<semaphore_mem>>) src(%arg10 : memref<128x144xf32, #tpu.memory_space<vmem>>) dst(%dma_wait3A_88 : memref<2048x144xf32, #tpu.memory_space<vmem_shared>>)
      tpu.yield
    }) : () -> ()
    %dma_wait3A_55 = arith.constant 0 : i32
    %dma_wait3A_56 = arith.constant 0 : i32
    %dma_wait3A_57 = tpu.memref_slice %arg7[%dma_wait3A_55, %dma_wait3A_56] : memref<80x128xi32, #tpu.memory_space<vmem>> -> memref<1x128xi32, #tpu.memory_space<vmem>>
    %dma_wait3A_58 = tpu.memref_squeeze %dma_wait3A_57 : memref<1x128xi32, #tpu.memory_space<vmem>> -> memref<128xi32, #tpu.memory_space<vmem>>
    %dma_wait3A_59 = arith.constant 0 : i32
    %dma_wait3A_60 = arith.constant 0 : i32
    %dma_wait3A_61 = tpu.memref_slice %arg2[%dma_wait3A_59, %dma_wait3A_60] : memref<10000x144xf32, #tpu.memory_space<hbm>> -> memref<10000x144xf32, #tpu.memory_space<hbm>>
    tpu.wait_indirect_dma semaphore(%arg16 : memref<!tpu.dma_semaphore, #tpu.memory_space<semaphore_mem>>) src(%dma_wait3A_61 : memref<10000x144xf32, #tpu.memory_space<hbm>>) dst(%arg11 : memref<128x144xf32, #tpu.memory_space<vmem>>)
    %run_scoped3A_62 = arith.constant 78 : i32
    "tpu.region"() ({
      %run_scoped3A_76 = tpu.sem_alloc : memref<!tpu.dma_semaphore, #tpu.memory_space<semaphore_mem>>
      %dma_start3A_77 = arith.constant 0 : i32
      %dma_start3A_78 = tpu.memref_slice %arg8[%run_scoped3A_62, %dma_start3A_77] : memref<80x128xi32, #tpu.memory_space<vmem>> -> memref<1x128xi32, #tpu.memory_space<vmem>>
      %dma_start3A_79 = tpu.memref_squeeze %dma_start3A_78 : memref<1x128xi32, #tpu.memory_space<vmem>> -> memref<128xi32, #tpu.memory_space<vmem>>
      %dma_start3A_80 = arith.constant 0 : i32
      %dma_start3A_81 = arith.constant 0 : i32
      %dma_start3A_82 = tpu.memref_slice %arg13[%dma_start3A_80, %dma_start3A_81] : memref<2048x144xf32, #tpu.memory_space<vmem_shared>> -> memref<2048x144xf32, #tpu.memory_space<vmem_shared>>
      tpu.enqueue_indirect_dma source(%arg11 : memref<128x144xf32, #tpu.memory_space<vmem>>) target(%dma_start3A_82 : memref<2048x144xf32, #tpu.memory_space<vmem_shared>>) offsets(%dma_start3A_79 : memref<128xi32, #tpu.memory_space<vmem>>) semaphore(%run_scoped3A_76 : memref<!tpu.dma_semaphore, #tpu.memory_space<semaphore_mem>>) {add = true}
      %dma_wait3A_83 = arith.constant 0 : i32
      %dma_wait3A_84 = tpu.memref_slice %arg8[%run_scoped3A_62, %dma_wait3A_83] : memref<80x128xi32, #tpu.memory_space<vmem>> -> memref<1x128xi32, #tpu.memory_space<vmem>>
      %dma_wait3A_85 = tpu.memref_squeeze %dma_wait3A_84 : memref<1x128xi32, #tpu.memory_space<vmem>> -> memref<128xi32, #tpu.memory_space<vmem>>
      %dma_wait3A_86 = arith.constant 0 : i32
      %dma_wait3A_87 = arith.constant 0 : i32
      %dma_wait3A_88 = tpu.memref_slice %arg13[%dma_wait3A_86, %dma_wait3A_87] : memref<2048x144xf32, #tpu.memory_space<vmem_shared>> -> memref<2048x144xf32, #tpu.memory_space<vmem_shared>>
      tpu.wait_indirect_dma semaphore(%run_scoped3A_76 : memref<!tpu.dma_semaphore, #tpu.memory_space<semaphore_mem>>) src(%arg11 : memref<128x144xf32, #tpu.memory_space<vmem>>) dst(%dma_wait3A_88 : memref<2048x144xf32, #tpu.memory_space<vmem_shared>>)
      tpu.yield
    }) : () -> ()
    %dma_wait3A_63 = arith.constant 0 : i32
    %dma_wait3A_64 = arith.constant 0 : i32
    %dma_wait3A_65 = tpu.memref_slice %arg7[%dma_wait3A_63, %dma_wait3A_64] : memref<80x128xi32, #tpu.memory_space<vmem>> -> memref<1x128xi32, #tpu.memory_space<vmem>>
    %dma_wait3A_66 = tpu.memref_squeeze %dma_wait3A_65 : memref<1x128xi32, #tpu.memory_space<vmem>> -> memref<128xi32, #tpu.memory_space<vmem>>
    %dma_wait3A_67 = arith.constant 0 : i32
    %dma_wait3A_68 = arith.constant 0 : i32
    %dma_wait3A_69 = tpu.memref_slice %arg2[%dma_wait3A_67, %dma_wait3A_68] : memref<10000x144xf32, #tpu.memory_space<hbm>> -> memref<10000x144xf32, #tpu.memory_space<hbm>>
    tpu.wait_indirect_dma semaphore(%arg17 : memref<!tpu.dma_semaphore, #tpu.memory_space<semaphore_mem>>) src(%dma_wait3A_69 : memref<10000x144xf32, #tpu.memory_space<hbm>>) dst(%arg12 : memref<128x144xf32, #tpu.memory_space<vmem>>)
    %run_scoped3A_70 = arith.constant 79 : i32
    "tpu.region"() ({
      %run_scoped3A_76 = tpu.sem_alloc : memref<!tpu.dma_semaphore, #tpu.memory_space<semaphore_mem>>
      %dma_start3A_77 = arith.constant 0 : i32
      %dma_start3A_78 = tpu.memref_slice %arg8[%run_scoped3A_70, %dma_start3A_77] : memref<80x128xi32, #tpu.memory_space<vmem>> -> memref<1x128xi32, #tpu.memory_space<vmem>>
      %dma_start3A_79 = tpu.memref_squeeze %dma_start3A_78 : memref<1x128xi32, #tpu.memory_space<vmem>> -> memref<128xi32, #tpu.memory_space<vmem>>
      %dma_start3A_80 = arith.constant 0 : i32
      %dma_start3A_81 = arith.constant 0 : i32
      %dma_start3A_82 = tpu.memref_slice %arg13[%dma_start3A_80, %dma_start3A_81] : memref<2048x144xf32, #tpu.memory_space<vmem_shared>> -> memref<2048x144xf32, #tpu.memory_space<vmem_shared>>
      tpu.enqueue_indirect_dma source(%arg12 : memref<128x144xf32, #tpu.memory_space<vmem>>) target(%dma_start3A_82 : memref<2048x144xf32, #tpu.memory_space<vmem_shared>>) offsets(%dma_start3A_79 : memref<128xi32, #tpu.memory_space<vmem>>) semaphore(%run_scoped3A_76 : memref<!tpu.dma_semaphore, #tpu.memory_space<semaphore_mem>>) {add = true}
      %dma_wait3A_83 = arith.constant 0 : i32
      %dma_wait3A_84 = tpu.memref_slice %arg8[%run_scoped3A_70, %dma_wait3A_83] : memref<80x128xi32, #tpu.memory_space<vmem>> -> memref<1x128xi32, #tpu.memory_space<vmem>>
      %dma_wait3A_85 = tpu.memref_squeeze %dma_wait3A_84 : memref<1x128xi32, #tpu.memory_space<vmem>> -> memref<128xi32, #tpu.memory_space<vmem>>
      %dma_wait3A_86 = arith.constant 0 : i32
      %dma_wait3A_87 = arith.constant 0 : i32
      %dma_wait3A_88 = tpu.memref_slice %arg13[%dma_wait3A_86, %dma_wait3A_87] : memref<2048x144xf32, #tpu.memory_space<vmem_shared>> -> memref<2048x144xf32, #tpu.memory_space<vmem_shared>>
      tpu.wait_indirect_dma semaphore(%run_scoped3A_76 : memref<!tpu.dma_semaphore, #tpu.memory_space<semaphore_mem>>) src(%arg12 : memref<128x144xf32, #tpu.memory_space<vmem>>) dst(%dma_wait3A_88 : memref<2048x144xf32, #tpu.memory_space<vmem_shared>>)
      tpu.yield
    }) : () -> ()
    %barrier3A_71 = arith.constant 0 : index
    tpu.barrier barrier_id(%barrier3A_71)
    %mul3A_72 = arith.constant 128 : i32
    %mul3A_73 = arith.muli %arg1, %mul3A_72 : i32
    %mul3A_74 = arith.constant 128 : i32
    %mul3A_75 = arith.muli %arg1, %mul3A_74 : i32
    "tpu.region"() ({
      %run_scoped3A_76 = tpu.sem_alloc : memref<!tpu.dma_semaphore, #tpu.memory_space<semaphore_mem>>
      %dma_start3A_77 = arith.constant 0 : i32
      %dma_start3A_78 = tpu.memref_slice %arg6[%arg0, %mul3A_75, %dma_start3A_77] : memref<2x2048x144xf32, #tpu.memory_space<hbm>> -> memref<1x128x144xf32, #tpu.memory_space<hbm>>
      %dma_start3A_79 = tpu.memref_squeeze %dma_start3A_78 : memref<1x128x144xf32, #tpu.memory_space<hbm>> -> memref<128x144xf32, #tpu.memory_space<hbm>>
      %dma_start3A_80 = arith.constant 0 : i32
      %dma_start3A_81 = tpu.memref_slice %arg13[%mul3A_73, %dma_start3A_80] : memref<2048x144xf32, #tpu.memory_space<vmem_shared>> -> memref<128x144xf32, #tpu.memory_space<vmem_shared>>
      tpu.enqueue_dma source(%dma_start3A_81 : memref<128x144xf32, #tpu.memory_space<vmem_shared>>) target(%dma_start3A_79 : memref<128x144xf32, #tpu.memory_space<hbm>>) target_semaphore(%run_scoped3A_76 : memref<!tpu.dma_semaphore, #tpu.memory_space<semaphore_mem>>)
      %dma_wait3A_82 = arith.constant 0 : i32
      %dma_wait3A_83 = tpu.memref_slice %arg6[%arg0, %mul3A_75, %dma_wait3A_82] : memref<2x2048x144xf32, #tpu.memory_space<hbm>> -> memref<1x128x144xf32, #tpu.memory_space<hbm>>
      %dma_wait3A_84 = tpu.memref_squeeze %dma_wait3A_83 : memref<1x128x144xf32, #tpu.memory_space<hbm>> -> memref<128x144xf32, #tpu.memory_space<hbm>>
      %dma_wait3A_85 = arith.constant 0 : i32
      %dma_wait3A_86 = tpu.memref_slice %arg13[%mul3A_73, %dma_wait3A_85] : memref<2048x144xf32, #tpu.memory_space<vmem_shared>> -> memref<128x144xf32, #tpu.memory_space<vmem_shared>>
      tpu.wait_dma2 semaphore(%run_scoped3A_76 : memref<!tpu.dma_semaphore, #tpu.memory_space<semaphore_mem>>) src(%dma_wait3A_86 : memref<128x144xf32, #tpu.memory_space<vmem_shared>>) dst(%dma_wait3A_84 : memref<128x144xf32, #tpu.memory_space<hbm>>)
      tpu.yield
    }) : () -> ()
    return
  }
}

#map = affine_map<(d0, d1) -> (0, 0)>
#map1 = affine_map<(d0, d1) -> (0, 0, 0)>
module attributes {stable_mosaic.version = 14 : i64} {
  func.func @agg(%arg0: i32, %arg1: i32, %arg2: memref<2000x144xf32, #tpu.memory_space<hbm>>, %arg3: memref<512x128xi32, #tpu.memory_space<hbm>>, %arg4: memref<512x128xi32, #tpu.memory_space<hbm>>, %arg5: memref<512x144xf32, #tpu.memory_space<hbm>>, %arg6: memref<2x512x144xf32, #tpu.memory_space<hbm>>, %arg7: memref<16x128xi32, #tpu.memory_space<vmem>>, %arg8: memref<16x128xi32, #tpu.memory_space<vmem>>, %arg9: memref<128x144xf32, #tpu.memory_space<vmem>>, %arg10: memref<128x144xf32, #tpu.memory_space<vmem>>, %arg11: memref<128x144xf32, #tpu.memory_space<vmem>>, %arg12: memref<128x144xf32, #tpu.memory_space<vmem>>, %arg13: memref<512x144xf32, #tpu.memory_space<vmem_shared>>, %arg14: memref<!tpu.dma_semaphore, #tpu.memory_space<semaphore_mem>>, %arg15: memref<!tpu.dma_semaphore, #tpu.memory_space<semaphore_mem>>, %arg16: memref<!tpu.dma_semaphore, #tpu.memory_space<semaphore_mem>>, %arg17: memref<!tpu.dma_semaphore, #tpu.memory_space<semaphore_mem>>) attributes {dimension_semantics = [#tpu.dimension_semantics<core_parallel>, #tpu.dimension_semantics<subcore_parallel>], iteration_bounds = array<i64: 2, 16>, scalar_prefetch = 0 : i64, scratch_operands = 11 : i64, tpu.core_type = #tpu.core_type<sc_vector_subcore>, window_params = [{transform_indices = #map}, {transform_indices = #map}, {transform_indices = #map}, {transform_indices = #map}, {transform_indices = #map1}]} {
    %mul3A = arith.constant 2 : i32
    %mul3A_0 = arith.muli %arg1, %mul3A : i32
    %add3A = arith.addi %mul3A_0, %arg0 : i32
    %mul3A_1 = arith.constant 32 : i32
    %mul3A_2 = arith.muli %arg1, %mul3A_1 : i32
    %mul3A_3 = arith.constant 32 : i32
    %mul3A_4 = arith.muli %arg1, %mul3A_3 : i32
    "tpu.region"() ({
      %run_scoped3A_76 = tpu.sem_alloc : memref<!tpu.dma_semaphore, #tpu.memory_space<semaphore_mem>>
      %dma_start3A_77 = arith.constant 0 : i32
      %dma_start3A_78 = tpu.memref_slice %arg13[%mul3A_4, %dma_start3A_77] : memref<512x144xf32, #tpu.memory_space<vmem_shared>> -> memref<32x144xf32, #tpu.memory_space<vmem_shared>>
      %dma_start3A_79 = arith.constant 0 : i32
      %dma_start3A_80 = tpu.memref_slice %arg5[%mul3A_2, %dma_start3A_79] : memref<512x144xf32, #tpu.memory_space<hbm>> -> memref<32x144xf32, #tpu.memory_space<hbm>>
      tpu.enqueue_dma source(%dma_start3A_80 : memref<32x144xf32, #tpu.memory_space<hbm>>) target(%dma_start3A_78 : memref<32x144xf32, #tpu.memory_space<vmem_shared>>) target_semaphore(%run_scoped3A_76 : memref<!tpu.dma_semaphore, #tpu.memory_space<semaphore_mem>>)
      %dma_wait3A_81 = arith.constant 0 : i32
      %dma_wait3A_82 = tpu.memref_slice %arg13[%mul3A_4, %dma_wait3A_81] : memref<512x144xf32, #tpu.memory_space<vmem_shared>> -> memref<32x144xf32, #tpu.memory_space<vmem_shared>>
      %dma_wait3A_83 = arith.constant 0 : i32
      %dma_wait3A_84 = tpu.memref_slice %arg5[%mul3A_2, %dma_wait3A_83] : memref<512x144xf32, #tpu.memory_space<hbm>> -> memref<32x144xf32, #tpu.memory_space<hbm>>
      tpu.wait_dma2 semaphore(%run_scoped3A_76 : memref<!tpu.dma_semaphore, #tpu.memory_space<semaphore_mem>>) src(%dma_wait3A_84 : memref<32x144xf32, #tpu.memory_space<hbm>>) dst(%dma_wait3A_82 : memref<32x144xf32, #tpu.memory_space<vmem_shared>>)
      tpu.yield
    }) : () -> ()
    %mul3A_5 = arith.constant 16 : i32
    %mul3A_6 = arith.muli %add3A, %mul3A_5 : i32
    "tpu.region"() ({
      %run_scoped3A_76 = tpu.sem_alloc : memref<!tpu.dma_semaphore, #tpu.memory_space<semaphore_mem>>
      %dma_start3A_77 = arith.constant 0 : i32
      %dma_start3A_78 = tpu.memref_slice %arg3[%mul3A_6, %dma_start3A_77] : memref<512x128xi32, #tpu.memory_space<hbm>> -> memref<16x128xi32, #tpu.memory_space<hbm>>
      %dma_start3A_79 = arith.constant 0 : i32
      %dma_start3A_80 = tpu.memref_slice %arg3[%mul3A_6, %dma_start3A_79] : memref<512x128xi32, #tpu.memory_space<hbm>> -> memref<16x128xi32, #tpu.memory_space<hbm>>
      tpu.enqueue_dma source(%dma_start3A_80 : memref<16x128xi32, #tpu.memory_space<hbm>>) target(%arg7 : memref<16x128xi32, #tpu.memory_space<vmem>>) target_semaphore(%run_scoped3A_76 : memref<!tpu.dma_semaphore, #tpu.memory_space<semaphore_mem>>)
      %dma_wait3A_81 = arith.constant 0 : i32
      %dma_wait3A_82 = tpu.memref_slice %arg3[%mul3A_6, %dma_wait3A_81] : memref<512x128xi32, #tpu.memory_space<hbm>> -> memref<16x128xi32, #tpu.memory_space<hbm>>
      %dma_wait3A_83 = arith.constant 0 : i32
      %dma_wait3A_84 = tpu.memref_slice %arg3[%mul3A_6, %dma_wait3A_83] : memref<512x128xi32, #tpu.memory_space<hbm>> -> memref<16x128xi32, #tpu.memory_space<hbm>>
      tpu.wait_dma2 semaphore(%run_scoped3A_76 : memref<!tpu.dma_semaphore, #tpu.memory_space<semaphore_mem>>) src(%dma_wait3A_84 : memref<16x128xi32, #tpu.memory_space<hbm>>) dst(%arg7 : memref<16x128xi32, #tpu.memory_space<vmem>>)
      tpu.yield
    }) : () -> ()
    %mul3A_7 = arith.constant 16 : i32
    %mul3A_8 = arith.muli %add3A, %mul3A_7 : i32
    "tpu.region"() ({
      %run_scoped3A_76 = tpu.sem_alloc : memref<!tpu.dma_semaphore, #tpu.memory_space<semaphore_mem>>
      %dma_start3A_77 = arith.constant 0 : i32
      %dma_start3A_78 = tpu.memref_slice %arg4[%mul3A_8, %dma_start3A_77] : memref<512x128xi32, #tpu.memory_space<hbm>> -> memref<16x128xi32, #tpu.memory_space<hbm>>
      %dma_start3A_79 = arith.constant 0 : i32
      %dma_start3A_80 = tpu.memref_slice %arg4[%mul3A_8, %dma_start3A_79] : memref<512x128xi32, #tpu.memory_space<hbm>> -> memref<16x128xi32, #tpu.memory_space<hbm>>
      tpu.enqueue_dma source(%dma_start3A_80 : memref<16x128xi32, #tpu.memory_space<hbm>>) target(%arg8 : memref<16x128xi32, #tpu.memory_space<vmem>>) target_semaphore(%run_scoped3A_76 : memref<!tpu.dma_semaphore, #tpu.memory_space<semaphore_mem>>)
      %dma_wait3A_81 = arith.constant 0 : i32
      %dma_wait3A_82 = tpu.memref_slice %arg4[%mul3A_8, %dma_wait3A_81] : memref<512x128xi32, #tpu.memory_space<hbm>> -> memref<16x128xi32, #tpu.memory_space<hbm>>
      %dma_wait3A_83 = arith.constant 0 : i32
      %dma_wait3A_84 = tpu.memref_slice %arg4[%mul3A_8, %dma_wait3A_83] : memref<512x128xi32, #tpu.memory_space<hbm>> -> memref<16x128xi32, #tpu.memory_space<hbm>>
      tpu.wait_dma2 semaphore(%run_scoped3A_76 : memref<!tpu.dma_semaphore, #tpu.memory_space<semaphore_mem>>) src(%dma_wait3A_84 : memref<16x128xi32, #tpu.memory_space<hbm>>) dst(%arg8 : memref<16x128xi32, #tpu.memory_space<vmem>>)
      tpu.yield
    }) : () -> ()
    %barrier3A = arith.constant 0 : index
    tpu.barrier barrier_id(%barrier3A)
    %dma_start3A = arith.constant 0 : i32
    %dma_start3A_9 = arith.constant 0 : i32
    %dma_start3A_10 = tpu.memref_slice %arg7[%dma_start3A, %dma_start3A_9] : memref<16x128xi32, #tpu.memory_space<vmem>> -> memref<1x128xi32, #tpu.memory_space<vmem>>
    %dma_start3A_11 = tpu.memref_squeeze %dma_start3A_10 : memref<1x128xi32, #tpu.memory_space<vmem>> -> memref<128xi32, #tpu.memory_space<vmem>>
    %dma_start3A_12 = arith.constant 0 : i32
    %dma_start3A_13 = arith.constant 0 : i32
    %dma_start3A_14 = tpu.memref_slice %arg2[%dma_start3A_12, %dma_start3A_13] : memref<2000x144xf32, #tpu.memory_space<hbm>> -> memref<2000x144xf32, #tpu.memory_space<hbm>>
    tpu.enqueue_indirect_dma source(%dma_start3A_14 : memref<2000x144xf32, #tpu.memory_space<hbm>>) target(%arg9 : memref<128x144xf32, #tpu.memory_space<vmem>>) offsets(%dma_start3A_11 : memref<128xi32, #tpu.memory_space<vmem>>) semaphore(%arg14 : memref<!tpu.dma_semaphore, #tpu.memory_space<semaphore_mem>>)
    %dma_start3A_15 = arith.constant 1 : i32
    %dma_start3A_16 = arith.constant 0 : i32
    %dma_start3A_17 = tpu.memref_slice %arg7[%dma_start3A_15, %dma_start3A_16] : memref<16x128xi32, #tpu.memory_space<vmem>> -> memref<1x128xi32, #tpu.memory_space<vmem>>
    %dma_start3A_18 = tpu.memref_squeeze %dma_start3A_17 : memref<1x128xi32, #tpu.memory_space<vmem>> -> memref<128xi32, #tpu.memory_space<vmem>>
    %dma_start3A_19 = arith.constant 0 : i32
    %dma_start3A_20 = arith.constant 0 : i32
    %dma_start3A_21 = tpu.memref_slice %arg2[%dma_start3A_19, %dma_start3A_20] : memref<2000x144xf32, #tpu.memory_space<hbm>> -> memref<2000x144xf32, #tpu.memory_space<hbm>>
    tpu.enqueue_indirect_dma source(%dma_start3A_21 : memref<2000x144xf32, #tpu.memory_space<hbm>>) target(%arg10 : memref<128x144xf32, #tpu.memory_space<vmem>>) offsets(%dma_start3A_18 : memref<128xi32, #tpu.memory_space<vmem>>) semaphore(%arg15 : memref<!tpu.dma_semaphore, #tpu.memory_space<semaphore_mem>>)
    %dma_start3A_22 = arith.constant 2 : i32
    %dma_start3A_23 = arith.constant 0 : i32
    %dma_start3A_24 = tpu.memref_slice %arg7[%dma_start3A_22, %dma_start3A_23] : memref<16x128xi32, #tpu.memory_space<vmem>> -> memref<1x128xi32, #tpu.memory_space<vmem>>
    %dma_start3A_25 = tpu.memref_squeeze %dma_start3A_24 : memref<1x128xi32, #tpu.memory_space<vmem>> -> memref<128xi32, #tpu.memory_space<vmem>>
    %dma_start3A_26 = arith.constant 0 : i32
    %dma_start3A_27 = arith.constant 0 : i32
    %dma_start3A_28 = tpu.memref_slice %arg2[%dma_start3A_26, %dma_start3A_27] : memref<2000x144xf32, #tpu.memory_space<hbm>> -> memref<2000x144xf32, #tpu.memory_space<hbm>>
    tpu.enqueue_indirect_dma source(%dma_start3A_28 : memref<2000x144xf32, #tpu.memory_space<hbm>>) target(%arg11 : memref<128x144xf32, #tpu.memory_space<vmem>>) offsets(%dma_start3A_25 : memref<128xi32, #tpu.memory_space<vmem>>) semaphore(%arg16 : memref<!tpu.dma_semaphore, #tpu.memory_space<semaphore_mem>>)
    %dma_start3A_29 = arith.constant 3 : i32
    %dma_start3A_30 = arith.constant 0 : i32
    %dma_start3A_31 = tpu.memref_slice %arg7[%dma_start3A_29, %dma_start3A_30] : memref<16x128xi32, #tpu.memory_space<vmem>> -> memref<1x128xi32, #tpu.memory_space<vmem>>
    %dma_start3A_32 = tpu.memref_squeeze %dma_start3A_31 : memref<1x128xi32, #tpu.memory_space<vmem>> -> memref<128xi32, #tpu.memory_space<vmem>>
    %dma_start3A_33 = arith.constant 0 : i32
    %dma_start3A_34 = arith.constant 0 : i32
    %dma_start3A_35 = tpu.memref_slice %arg2[%dma_start3A_33, %dma_start3A_34] : memref<2000x144xf32, #tpu.memory_space<hbm>> -> memref<2000x144xf32, #tpu.memory_space<hbm>>
    tpu.enqueue_indirect_dma source(%dma_start3A_35 : memref<2000x144xf32, #tpu.memory_space<hbm>>) target(%arg12 : memref<128x144xf32, #tpu.memory_space<vmem>>) offsets(%dma_start3A_32 : memref<128xi32, #tpu.memory_space<vmem>>) semaphore(%arg17 : memref<!tpu.dma_semaphore, #tpu.memory_space<semaphore_mem>>)
    %scan3A = arith.constant 0 : i32
    %scan3A_36 = arith.constant 0 : i32
    %scan3A_37 = arith.constant 3 : i32
    %scan3A_38 = arith.addi %scan3A_36, %scan3A_37 : i32
    %scan3A_39 = arith.constant 1 : i32
    scf.for %scan3A_76 = %scan3A_36 to %scan3A_38 step %scan3A_39  : i32 {
      %mul3A_77 = arith.constant 4 : i32
      %mul3A_78 = arith.muli %scan3A_76, %mul3A_77 : i32
      %dma_wait3A_79 = arith.constant 0 : i32
      %dma_wait3A_80 = arith.constant 0 : i32
      %dma_wait3A_81 = tpu.memref_slice %arg7[%dma_wait3A_79, %dma_wait3A_80] : memref<16x128xi32, #tpu.memory_space<vmem>> -> memref<1x128xi32, #tpu.memory_space<vmem>>
      %dma_wait3A_82 = tpu.memref_squeeze %dma_wait3A_81 : memref<1x128xi32, #tpu.memory_space<vmem>> -> memref<128xi32, #tpu.memory_space<vmem>>
      %dma_wait3A_83 = arith.constant 0 : i32
      %dma_wait3A_84 = arith.constant 0 : i32
      %dma_wait3A_85 = tpu.memref_slice %arg2[%dma_wait3A_83, %dma_wait3A_84] : memref<2000x144xf32, #tpu.memory_space<hbm>> -> memref<2000x144xf32, #tpu.memory_space<hbm>>
      tpu.wait_indirect_dma semaphore(%arg14 : memref<!tpu.dma_semaphore, #tpu.memory_space<semaphore_mem>>) src(%dma_wait3A_85 : memref<2000x144xf32, #tpu.memory_space<hbm>>) dst(%arg9 : memref<128x144xf32, #tpu.memory_space<vmem>>)
      %add3A_86 = arith.constant 0 : i32
      %add3A_87 = arith.addi %mul3A_78, %add3A_86 : i32
      "tpu.region"() ({
        %run_scoped3A_155 = tpu.sem_alloc : memref<!tpu.dma_semaphore, #tpu.memory_space<semaphore_mem>>
        %dma_start3A_156 = arith.constant 0 : i32
        %dma_start3A_157 = tpu.memref_slice %arg8[%add3A_87, %dma_start3A_156] : memref<16x128xi32, #tpu.memory_space<vmem>> -> memref<1x128xi32, #tpu.memory_space<vmem>>
        %dma_start3A_158 = tpu.memref_squeeze %dma_start3A_157 : memref<1x128xi32, #tpu.memory_space<vmem>> -> memref<128xi32, #tpu.memory_space<vmem>>
        %dma_start3A_159 = arith.constant 0 : i32
        %dma_start3A_160 = arith.constant 0 : i32
        %dma_start3A_161 = tpu.memref_slice %arg13[%dma_start3A_159, %dma_start3A_160] : memref<512x144xf32, #tpu.memory_space<vmem_shared>> -> memref<512x144xf32, #tpu.memory_space<vmem_shared>>
        tpu.enqueue_indirect_dma source(%arg9 : memref<128x144xf32, #tpu.memory_space<vmem>>) target(%dma_start3A_161 : memref<512x144xf32, #tpu.memory_space<vmem_shared>>) offsets(%dma_start3A_158 : memref<128xi32, #tpu.memory_space<vmem>>) semaphore(%run_scoped3A_155 : memref<!tpu.dma_semaphore, #tpu.memory_space<semaphore_mem>>) {add = true}
        %dma_wait3A_162 = arith.constant 0 : i32
        %dma_wait3A_163 = tpu.memref_slice %arg8[%add3A_87, %dma_wait3A_162] : memref<16x128xi32, #tpu.memory_space<vmem>> -> memref<1x128xi32, #tpu.memory_space<vmem>>
        %dma_wait3A_164 = tpu.memref_squeeze %dma_wait3A_163 : memref<1x128xi32, #tpu.memory_space<vmem>> -> memref<128xi32, #tpu.memory_space<vmem>>
        %dma_wait3A_165 = arith.constant 0 : i32
        %dma_wait3A_166 = arith.constant 0 : i32
        %dma_wait3A_167 = tpu.memref_slice %arg13[%dma_wait3A_165, %dma_wait3A_166] : memref<512x144xf32, #tpu.memory_space<vmem_shared>> -> memref<512x144xf32, #tpu.memory_space<vmem_shared>>
        tpu.wait_indirect_dma semaphore(%run_scoped3A_155 : memref<!tpu.dma_semaphore, #tpu.memory_space<semaphore_mem>>) src(%arg9 : memref<128x144xf32, #tpu.memory_space<vmem>>) dst(%dma_wait3A_167 : memref<512x144xf32, #tpu.memory_space<vmem_shared>>)
        tpu.yield
      }) : () -> ()
      %add3A_88 = arith.constant 4 : i32
      %add3A_89 = arith.addi %mul3A_78, %add3A_88 : i32
      %add3A_90 = arith.constant 0 : i32
      %add3A_91 = arith.addi %add3A_89, %add3A_90 : i32
      %dma_start3A_92 = arith.constant 0 : i32
      %dma_start3A_93 = tpu.memref_slice %arg7[%add3A_91, %dma_start3A_92] : memref<16x128xi32, #tpu.memory_space<vmem>> -> memref<1x128xi32, #tpu.memory_space<vmem>>
      %dma_start3A_94 = tpu.memref_squeeze %dma_start3A_93 : memref<1x128xi32, #tpu.memory_space<vmem>> -> memref<128xi32, #tpu.memory_space<vmem>>
      %dma_start3A_95 = arith.constant 0 : i32
      %dma_start3A_96 = arith.constant 0 : i32
      %dma_start3A_97 = tpu.memref_slice %arg2[%dma_start3A_95, %dma_start3A_96] : memref<2000x144xf32, #tpu.memory_space<hbm>> -> memref<2000x144xf32, #tpu.memory_space<hbm>>
      tpu.enqueue_indirect_dma source(%dma_start3A_97 : memref<2000x144xf32, #tpu.memory_space<hbm>>) target(%arg9 : memref<128x144xf32, #tpu.memory_space<vmem>>) offsets(%dma_start3A_94 : memref<128xi32, #tpu.memory_space<vmem>>) semaphore(%arg14 : memref<!tpu.dma_semaphore, #tpu.memory_space<semaphore_mem>>)
      %dma_wait3A_98 = arith.constant 0 : i32
      %dma_wait3A_99 = arith.constant 0 : i32
      %dma_wait3A_100 = tpu.memref_slice %arg7[%dma_wait3A_98, %dma_wait3A_99] : memref<16x128xi32, #tpu.memory_space<vmem>> -> memref<1x128xi32, #tpu.memory_space<vmem>>
      %dma_wait3A_101 = tpu.memref_squeeze %dma_wait3A_100 : memref<1x128xi32, #tpu.memory_space<vmem>> -> memref<128xi32, #tpu.memory_space<vmem>>
      %dma_wait3A_102 = arith.constant 0 : i32
      %dma_wait3A_103 = arith.constant 0 : i32
      %dma_wait3A_104 = tpu.memref_slice %arg2[%dma_wait3A_102, %dma_wait3A_103] : memref<2000x144xf32, #tpu.memory_space<hbm>> -> memref<2000x144xf32, #tpu.memory_space<hbm>>
      tpu.wait_indirect_dma semaphore(%arg15 : memref<!tpu.dma_semaphore, #tpu.memory_space<semaphore_mem>>) src(%dma_wait3A_104 : memref<2000x144xf32, #tpu.memory_space<hbm>>) dst(%arg10 : memref<128x144xf32, #tpu.memory_space<vmem>>)
      %add3A_105 = arith.constant 1 : i32
      %add3A_106 = arith.addi %mul3A_78, %add3A_105 : i32
      "tpu.region"() ({
        %run_scoped3A_155 = tpu.sem_alloc : memref<!tpu.dma_semaphore, #tpu.memory_space<semaphore_mem>>
        %dma_start3A_156 = arith.constant 0 : i32
        %dma_start3A_157 = tpu.memref_slice %arg8[%add3A_106, %dma_start3A_156] : memref<16x128xi32, #tpu.memory_space<vmem>> -> memref<1x128xi32, #tpu.memory_space<vmem>>
        %dma_start3A_158 = tpu.memref_squeeze %dma_start3A_157 : memref<1x128xi32, #tpu.memory_space<vmem>> -> memref<128xi32, #tpu.memory_space<vmem>>
        %dma_start3A_159 = arith.constant 0 : i32
        %dma_start3A_160 = arith.constant 0 : i32
        %dma_start3A_161 = tpu.memref_slice %arg13[%dma_start3A_159, %dma_start3A_160] : memref<512x144xf32, #tpu.memory_space<vmem_shared>> -> memref<512x144xf32, #tpu.memory_space<vmem_shared>>
        tpu.enqueue_indirect_dma source(%arg10 : memref<128x144xf32, #tpu.memory_space<vmem>>) target(%dma_start3A_161 : memref<512x144xf32, #tpu.memory_space<vmem_shared>>) offsets(%dma_start3A_158 : memref<128xi32, #tpu.memory_space<vmem>>) semaphore(%run_scoped3A_155 : memref<!tpu.dma_semaphore, #tpu.memory_space<semaphore_mem>>) {add = true}
        %dma_wait3A_162 = arith.constant 0 : i32
        %dma_wait3A_163 = tpu.memref_slice %arg8[%add3A_106, %dma_wait3A_162] : memref<16x128xi32, #tpu.memory_space<vmem>> -> memref<1x128xi32, #tpu.memory_space<vmem>>
        %dma_wait3A_164 = tpu.memref_squeeze %dma_wait3A_163 : memref<1x128xi32, #tpu.memory_space<vmem>> -> memref<128xi32, #tpu.memory_space<vmem>>
        %dma_wait3A_165 = arith.constant 0 : i32
        %dma_wait3A_166 = arith.constant 0 : i32
        %dma_wait3A_167 = tpu.memref_slice %arg13[%dma_wait3A_165, %dma_wait3A_166] : memref<512x144xf32, #tpu.memory_space<vmem_shared>> -> memref<512x144xf32, #tpu.memory_space<vmem_shared>>
        tpu.wait_indirect_dma semaphore(%run_scoped3A_155 : memref<!tpu.dma_semaphore, #tpu.memory_space<semaphore_mem>>) src(%arg10 : memref<128x144xf32, #tpu.memory_space<vmem>>) dst(%dma_wait3A_167 : memref<512x144xf32, #tpu.memory_space<vmem_shared>>)
        tpu.yield
      }) : () -> ()
      %add3A_107 = arith.constant 4 : i32
      %add3A_108 = arith.addi %mul3A_78, %add3A_107 : i32
      %add3A_109 = arith.constant 1 : i32
      %add3A_110 = arith.addi %add3A_108, %add3A_109 : i32
      %dma_start3A_111 = arith.constant 0 : i32
      %dma_start3A_112 = tpu.memref_slice %arg7[%add3A_110, %dma_start3A_111] : memref<16x128xi32, #tpu.memory_space<vmem>> -> memref<1x128xi32, #tpu.memory_space<vmem>>
      %dma_start3A_113 = tpu.memref_squeeze %dma_start3A_112 : memref<1x128xi32, #tpu.memory_space<vmem>> -> memref<128xi32, #tpu.memory_space<vmem>>
      %dma_start3A_114 = arith.constant 0 : i32
      %dma_start3A_115 = arith.constant 0 : i32
      %dma_start3A_116 = tpu.memref_slice %arg2[%dma_start3A_114, %dma_start3A_115] : memref<2000x144xf32, #tpu.memory_space<hbm>> -> memref<2000x144xf32, #tpu.memory_space<hbm>>
      tpu.enqueue_indirect_dma source(%dma_start3A_116 : memref<2000x144xf32, #tpu.memory_space<hbm>>) target(%arg10 : memref<128x144xf32, #tpu.memory_space<vmem>>) offsets(%dma_start3A_113 : memref<128xi32, #tpu.memory_space<vmem>>) semaphore(%arg15 : memref<!tpu.dma_semaphore, #tpu.memory_space<semaphore_mem>>)
      %dma_wait3A_117 = arith.constant 0 : i32
      %dma_wait3A_118 = arith.constant 0 : i32
      %dma_wait3A_119 = tpu.memref_slice %arg7[%dma_wait3A_117, %dma_wait3A_118] : memref<16x128xi32, #tpu.memory_space<vmem>> -> memref<1x128xi32, #tpu.memory_space<vmem>>
      %dma_wait3A_120 = tpu.memref_squeeze %dma_wait3A_119 : memref<1x128xi32, #tpu.memory_space<vmem>> -> memref<128xi32, #tpu.memory_space<vmem>>
      %dma_wait3A_121 = arith.constant 0 : i32
      %dma_wait3A_122 = arith.constant 0 : i32
      %dma_wait3A_123 = tpu.memref_slice %arg2[%dma_wait3A_121, %dma_wait3A_122] : memref<2000x144xf32, #tpu.memory_space<hbm>> -> memref<2000x144xf32, #tpu.memory_space<hbm>>
      tpu.wait_indirect_dma semaphore(%arg16 : memref<!tpu.dma_semaphore, #tpu.memory_space<semaphore_mem>>) src(%dma_wait3A_123 : memref<2000x144xf32, #tpu.memory_space<hbm>>) dst(%arg11 : memref<128x144xf32, #tpu.memory_space<vmem>>)
      %add3A_124 = arith.constant 2 : i32
      %add3A_125 = arith.addi %mul3A_78, %add3A_124 : i32
      "tpu.region"() ({
        %run_scoped3A_155 = tpu.sem_alloc : memref<!tpu.dma_semaphore, #tpu.memory_space<semaphore_mem>>
        %dma_start3A_156 = arith.constant 0 : i32
        %dma_start3A_157 = tpu.memref_slice %arg8[%add3A_125, %dma_start3A_156] : memref<16x128xi32, #tpu.memory_space<vmem>> -> memref<1x128xi32, #tpu.memory_space<vmem>>
        %dma_start3A_158 = tpu.memref_squeeze %dma_start3A_157 : memref<1x128xi32, #tpu.memory_space<vmem>> -> memref<128xi32, #tpu.memory_space<vmem>>
        %dma_start3A_159 = arith.constant 0 : i32
        %dma_start3A_160 = arith.constant 0 : i32
        %dma_start3A_161 = tpu.memref_slice %arg13[%dma_start3A_159, %dma_start3A_160] : memref<512x144xf32, #tpu.memory_space<vmem_shared>> -> memref<512x144xf32, #tpu.memory_space<vmem_shared>>
        tpu.enqueue_indirect_dma source(%arg11 : memref<128x144xf32, #tpu.memory_space<vmem>>) target(%dma_start3A_161 : memref<512x144xf32, #tpu.memory_space<vmem_shared>>) offsets(%dma_start3A_158 : memref<128xi32, #tpu.memory_space<vmem>>) semaphore(%run_scoped3A_155 : memref<!tpu.dma_semaphore, #tpu.memory_space<semaphore_mem>>) {add = true}
        %dma_wait3A_162 = arith.constant 0 : i32
        %dma_wait3A_163 = tpu.memref_slice %arg8[%add3A_125, %dma_wait3A_162] : memref<16x128xi32, #tpu.memory_space<vmem>> -> memref<1x128xi32, #tpu.memory_space<vmem>>
        %dma_wait3A_164 = tpu.memref_squeeze %dma_wait3A_163 : memref<1x128xi32, #tpu.memory_space<vmem>> -> memref<128xi32, #tpu.memory_space<vmem>>
        %dma_wait3A_165 = arith.constant 0 : i32
        %dma_wait3A_166 = arith.constant 0 : i32
        %dma_wait3A_167 = tpu.memref_slice %arg13[%dma_wait3A_165, %dma_wait3A_166] : memref<512x144xf32, #tpu.memory_space<vmem_shared>> -> memref<512x144xf32, #tpu.memory_space<vmem_shared>>
        tpu.wait_indirect_dma semaphore(%run_scoped3A_155 : memref<!tpu.dma_semaphore, #tpu.memory_space<semaphore_mem>>) src(%arg11 : memref<128x144xf32, #tpu.memory_space<vmem>>) dst(%dma_wait3A_167 : memref<512x144xf32, #tpu.memory_space<vmem_shared>>)
        tpu.yield
      }) : () -> ()
      %add3A_126 = arith.constant 4 : i32
      %add3A_127 = arith.addi %mul3A_78, %add3A_126 : i32
      %add3A_128 = arith.constant 2 : i32
      %add3A_129 = arith.addi %add3A_127, %add3A_128 : i32
      %dma_start3A_130 = arith.constant 0 : i32
      %dma_start3A_131 = tpu.memref_slice %arg7[%add3A_129, %dma_start3A_130] : memref<16x128xi32, #tpu.memory_space<vmem>> -> memref<1x128xi32, #tpu.memory_space<vmem>>
      %dma_start3A_132 = tpu.memref_squeeze %dma_start3A_131 : memref<1x128xi32, #tpu.memory_space<vmem>> -> memref<128xi32, #tpu.memory_space<vmem>>
      %dma_start3A_133 = arith.constant 0 : i32
      %dma_start3A_134 = arith.constant 0 : i32
      %dma_start3A_135 = tpu.memref_slice %arg2[%dma_start3A_133, %dma_start3A_134] : memref<2000x144xf32, #tpu.memory_space<hbm>> -> memref<2000x144xf32, #tpu.memory_space<hbm>>
      tpu.enqueue_indirect_dma source(%dma_start3A_135 : memref<2000x144xf32, #tpu.memory_space<hbm>>) target(%arg11 : memref<128x144xf32, #tpu.memory_space<vmem>>) offsets(%dma_start3A_132 : memref<128xi32, #tpu.memory_space<vmem>>) semaphore(%arg16 : memref<!tpu.dma_semaphore, #tpu.memory_space<semaphore_mem>>)
      %dma_wait3A_136 = arith.constant 0 : i32
      %dma_wait3A_137 = arith.constant 0 : i32
      %dma_wait3A_138 = tpu.memref_slice %arg7[%dma_wait3A_136, %dma_wait3A_137] : memref<16x128xi32, #tpu.memory_space<vmem>> -> memref<1x128xi32, #tpu.memory_space<vmem>>
      %dma_wait3A_139 = tpu.memref_squeeze %dma_wait3A_138 : memref<1x128xi32, #tpu.memory_space<vmem>> -> memref<128xi32, #tpu.memory_space<vmem>>
      %dma_wait3A_140 = arith.constant 0 : i32
      %dma_wait3A_141 = arith.constant 0 : i32
      %dma_wait3A_142 = tpu.memref_slice %arg2[%dma_wait3A_140, %dma_wait3A_141] : memref<2000x144xf32, #tpu.memory_space<hbm>> -> memref<2000x144xf32, #tpu.memory_space<hbm>>
      tpu.wait_indirect_dma semaphore(%arg17 : memref<!tpu.dma_semaphore, #tpu.memory_space<semaphore_mem>>) src(%dma_wait3A_142 : memref<2000x144xf32, #tpu.memory_space<hbm>>) dst(%arg12 : memref<128x144xf32, #tpu.memory_space<vmem>>)
      %add3A_143 = arith.constant 3 : i32
      %add3A_144 = arith.addi %mul3A_78, %add3A_143 : i32
      "tpu.region"() ({
        %run_scoped3A_155 = tpu.sem_alloc : memref<!tpu.dma_semaphore, #tpu.memory_space<semaphore_mem>>
        %dma_start3A_156 = arith.constant 0 : i32
        %dma_start3A_157 = tpu.memref_slice %arg8[%add3A_144, %dma_start3A_156] : memref<16x128xi32, #tpu.memory_space<vmem>> -> memref<1x128xi32, #tpu.memory_space<vmem>>
        %dma_start3A_158 = tpu.memref_squeeze %dma_start3A_157 : memref<1x128xi32, #tpu.memory_space<vmem>> -> memref<128xi32, #tpu.memory_space<vmem>>
        %dma_start3A_159 = arith.constant 0 : i32
        %dma_start3A_160 = arith.constant 0 : i32
        %dma_start3A_161 = tpu.memref_slice %arg13[%dma_start3A_159, %dma_start3A_160] : memref<512x144xf32, #tpu.memory_space<vmem_shared>> -> memref<512x144xf32, #tpu.memory_space<vmem_shared>>
        tpu.enqueue_indirect_dma source(%arg12 : memref<128x144xf32, #tpu.memory_space<vmem>>) target(%dma_start3A_161 : memref<512x144xf32, #tpu.memory_space<vmem_shared>>) offsets(%dma_start3A_158 : memref<128xi32, #tpu.memory_space<vmem>>) semaphore(%run_scoped3A_155 : memref<!tpu.dma_semaphore, #tpu.memory_space<semaphore_mem>>) {add = true}
        %dma_wait3A_162 = arith.constant 0 : i32
        %dma_wait3A_163 = tpu.memref_slice %arg8[%add3A_144, %dma_wait3A_162] : memref<16x128xi32, #tpu.memory_space<vmem>> -> memref<1x128xi32, #tpu.memory_space<vmem>>
        %dma_wait3A_164 = tpu.memref_squeeze %dma_wait3A_163 : memref<1x128xi32, #tpu.memory_space<vmem>> -> memref<128xi32, #tpu.memory_space<vmem>>
        %dma_wait3A_165 = arith.constant 0 : i32
        %dma_wait3A_166 = arith.constant 0 : i32
        %dma_wait3A_167 = tpu.memref_slice %arg13[%dma_wait3A_165, %dma_wait3A_166] : memref<512x144xf32, #tpu.memory_space<vmem_shared>> -> memref<512x144xf32, #tpu.memory_space<vmem_shared>>
        tpu.wait_indirect_dma semaphore(%run_scoped3A_155 : memref<!tpu.dma_semaphore, #tpu.memory_space<semaphore_mem>>) src(%arg12 : memref<128x144xf32, #tpu.memory_space<vmem>>) dst(%dma_wait3A_167 : memref<512x144xf32, #tpu.memory_space<vmem_shared>>)
        tpu.yield
      }) : () -> ()
      %add3A_145 = arith.constant 4 : i32
      %add3A_146 = arith.addi %mul3A_78, %add3A_145 : i32
      %add3A_147 = arith.constant 3 : i32
      %add3A_148 = arith.addi %add3A_146, %add3A_147 : i32
      %dma_start3A_149 = arith.constant 0 : i32
      %dma_start3A_150 = tpu.memref_slice %arg7[%add3A_148, %dma_start3A_149] : memref<16x128xi32, #tpu.memory_space<vmem>> -> memref<1x128xi32, #tpu.memory_space<vmem>>
      %dma_start3A_151 = tpu.memref_squeeze %dma_start3A_150 : memref<1x128xi32, #tpu.memory_space<vmem>> -> memref<128xi32, #tpu.memory_space<vmem>>
      %dma_start3A_152 = arith.constant 0 : i32
      %dma_start3A_153 = arith.constant 0 : i32
      %dma_start3A_154 = tpu.memref_slice %arg2[%dma_start3A_152, %dma_start3A_153] : memref<2000x144xf32, #tpu.memory_space<hbm>> -> memref<2000x144xf32, #tpu.memory_space<hbm>>
      tpu.enqueue_indirect_dma source(%dma_start3A_154 : memref<2000x144xf32, #tpu.memory_space<hbm>>) target(%arg12 : memref<128x144xf32, #tpu.memory_space<vmem>>) offsets(%dma_start3A_151 : memref<128xi32, #tpu.memory_space<vmem>>) semaphore(%arg17 : memref<!tpu.dma_semaphore, #tpu.memory_space<semaphore_mem>>)
    }
    %scan3A_40 = arith.constant 3 : i32
    %dma_wait3A = arith.constant 0 : i32
    %dma_wait3A_41 = arith.constant 0 : i32
    %dma_wait3A_42 = tpu.memref_slice %arg7[%dma_wait3A, %dma_wait3A_41] : memref<16x128xi32, #tpu.memory_space<vmem>> -> memref<1x128xi32, #tpu.memory_space<vmem>>
    %dma_wait3A_43 = tpu.memref_squeeze %dma_wait3A_42 : memref<1x128xi32, #tpu.memory_space<vmem>> -> memref<128xi32, #tpu.memory_space<vmem>>
    %dma_wait3A_44 = arith.constant 0 : i32
    %dma_wait3A_45 = arith.constant 0 : i32
    %dma_wait3A_46 = tpu.memref_slice %arg2[%dma_wait3A_44, %dma_wait3A_45] : memref<2000x144xf32, #tpu.memory_space<hbm>> -> memref<2000x144xf32, #tpu.memory_space<hbm>>
    tpu.wait_indirect_dma semaphore(%arg14 : memref<!tpu.dma_semaphore, #tpu.memory_space<semaphore_mem>>) src(%dma_wait3A_46 : memref<2000x144xf32, #tpu.memory_space<hbm>>) dst(%arg9 : memref<128x144xf32, #tpu.memory_space<vmem>>)
    %run_scoped3A = arith.constant 12 : i32
    "tpu.region"() ({
      %run_scoped3A_76 = tpu.sem_alloc : memref<!tpu.dma_semaphore, #tpu.memory_space<semaphore_mem>>
      %dma_start3A_77 = arith.constant 0 : i32
      %dma_start3A_78 = tpu.memref_slice %arg8[%run_scoped3A, %dma_start3A_77] : memref<16x128xi32, #tpu.memory_space<vmem>> -> memref<1x128xi32, #tpu.memory_space<vmem>>
      %dma_start3A_79 = tpu.memref_squeeze %dma_start3A_78 : memref<1x128xi32, #tpu.memory_space<vmem>> -> memref<128xi32, #tpu.memory_space<vmem>>
      %dma_start3A_80 = arith.constant 0 : i32
      %dma_start3A_81 = arith.constant 0 : i32
      %dma_start3A_82 = tpu.memref_slice %arg13[%dma_start3A_80, %dma_start3A_81] : memref<512x144xf32, #tpu.memory_space<vmem_shared>> -> memref<512x144xf32, #tpu.memory_space<vmem_shared>>
      tpu.enqueue_indirect_dma source(%arg9 : memref<128x144xf32, #tpu.memory_space<vmem>>) target(%dma_start3A_82 : memref<512x144xf32, #tpu.memory_space<vmem_shared>>) offsets(%dma_start3A_79 : memref<128xi32, #tpu.memory_space<vmem>>) semaphore(%run_scoped3A_76 : memref<!tpu.dma_semaphore, #tpu.memory_space<semaphore_mem>>) {add = true}
      %dma_wait3A_83 = arith.constant 0 : i32
      %dma_wait3A_84 = tpu.memref_slice %arg8[%run_scoped3A, %dma_wait3A_83] : memref<16x128xi32, #tpu.memory_space<vmem>> -> memref<1x128xi32, #tpu.memory_space<vmem>>
      %dma_wait3A_85 = tpu.memref_squeeze %dma_wait3A_84 : memref<1x128xi32, #tpu.memory_space<vmem>> -> memref<128xi32, #tpu.memory_space<vmem>>
      %dma_wait3A_86 = arith.constant 0 : i32
      %dma_wait3A_87 = arith.constant 0 : i32
      %dma_wait3A_88 = tpu.memref_slice %arg13[%dma_wait3A_86, %dma_wait3A_87] : memref<512x144xf32, #tpu.memory_space<vmem_shared>> -> memref<512x144xf32, #tpu.memory_space<vmem_shared>>
      tpu.wait_indirect_dma semaphore(%run_scoped3A_76 : memref<!tpu.dma_semaphore, #tpu.memory_space<semaphore_mem>>) src(%arg9 : memref<128x144xf32, #tpu.memory_space<vmem>>) dst(%dma_wait3A_88 : memref<512x144xf32, #tpu.memory_space<vmem_shared>>)
      tpu.yield
    }) : () -> ()
    %dma_wait3A_47 = arith.constant 0 : i32
    %dma_wait3A_48 = arith.constant 0 : i32
    %dma_wait3A_49 = tpu.memref_slice %arg7[%dma_wait3A_47, %dma_wait3A_48] : memref<16x128xi32, #tpu.memory_space<vmem>> -> memref<1x128xi32, #tpu.memory_space<vmem>>
    %dma_wait3A_50 = tpu.memref_squeeze %dma_wait3A_49 : memref<1x128xi32, #tpu.memory_space<vmem>> -> memref<128xi32, #tpu.memory_space<vmem>>
    %dma_wait3A_51 = arith.constant 0 : i32
    %dma_wait3A_52 = arith.constant 0 : i32
    %dma_wait3A_53 = tpu.memref_slice %arg2[%dma_wait3A_51, %dma_wait3A_52] : memref<2000x144xf32, #tpu.memory_space<hbm>> -> memref<2000x144xf32, #tpu.memory_space<hbm>>
    tpu.wait_indirect_dma semaphore(%arg15 : memref<!tpu.dma_semaphore, #tpu.memory_space<semaphore_mem>>) src(%dma_wait3A_53 : memref<2000x144xf32, #tpu.memory_space<hbm>>) dst(%arg10 : memref<128x144xf32, #tpu.memory_space<vmem>>)
    %run_scoped3A_54 = arith.constant 13 : i32
    "tpu.region"() ({
      %run_scoped3A_76 = tpu.sem_alloc : memref<!tpu.dma_semaphore, #tpu.memory_space<semaphore_mem>>
      %dma_start3A_77 = arith.constant 0 : i32
      %dma_start3A_78 = tpu.memref_slice %arg8[%run_scoped3A_54, %dma_start3A_77] : memref<16x128xi32, #tpu.memory_space<vmem>> -> memref<1x128xi32, #tpu.memory_space<vmem>>
      %dma_start3A_79 = tpu.memref_squeeze %dma_start3A_78 : memref<1x128xi32, #tpu.memory_space<vmem>> -> memref<128xi32, #tpu.memory_space<vmem>>
      %dma_start3A_80 = arith.constant 0 : i32
      %dma_start3A_81 = arith.constant 0 : i32
      %dma_start3A_82 = tpu.memref_slice %arg13[%dma_start3A_80, %dma_start3A_81] : memref<512x144xf32, #tpu.memory_space<vmem_shared>> -> memref<512x144xf32, #tpu.memory_space<vmem_shared>>
      tpu.enqueue_indirect_dma source(%arg10 : memref<128x144xf32, #tpu.memory_space<vmem>>) target(%dma_start3A_82 : memref<512x144xf32, #tpu.memory_space<vmem_shared>>) offsets(%dma_start3A_79 : memref<128xi32, #tpu.memory_space<vmem>>) semaphore(%run_scoped3A_76 : memref<!tpu.dma_semaphore, #tpu.memory_space<semaphore_mem>>) {add = true}
      %dma_wait3A_83 = arith.constant 0 : i32
      %dma_wait3A_84 = tpu.memref_slice %arg8[%run_scoped3A_54, %dma_wait3A_83] : memref<16x128xi32, #tpu.memory_space<vmem>> -> memref<1x128xi32, #tpu.memory_space<vmem>>
      %dma_wait3A_85 = tpu.memref_squeeze %dma_wait3A_84 : memref<1x128xi32, #tpu.memory_space<vmem>> -> memref<128xi32, #tpu.memory_space<vmem>>
      %dma_wait3A_86 = arith.constant 0 : i32
      %dma_wait3A_87 = arith.constant 0 : i32
      %dma_wait3A_88 = tpu.memref_slice %arg13[%dma_wait3A_86, %dma_wait3A_87] : memref<512x144xf32, #tpu.memory_space<vmem_shared>> -> memref<512x144xf32, #tpu.memory_space<vmem_shared>>
      tpu.wait_indirect_dma semaphore(%run_scoped3A_76 : memref<!tpu.dma_semaphore, #tpu.memory_space<semaphore_mem>>) src(%arg10 : memref<128x144xf32, #tpu.memory_space<vmem>>) dst(%dma_wait3A_88 : memref<512x144xf32, #tpu.memory_space<vmem_shared>>)
      tpu.yield
    }) : () -> ()
    %dma_wait3A_55 = arith.constant 0 : i32
    %dma_wait3A_56 = arith.constant 0 : i32
    %dma_wait3A_57 = tpu.memref_slice %arg7[%dma_wait3A_55, %dma_wait3A_56] : memref<16x128xi32, #tpu.memory_space<vmem>> -> memref<1x128xi32, #tpu.memory_space<vmem>>
    %dma_wait3A_58 = tpu.memref_squeeze %dma_wait3A_57 : memref<1x128xi32, #tpu.memory_space<vmem>> -> memref<128xi32, #tpu.memory_space<vmem>>
    %dma_wait3A_59 = arith.constant 0 : i32
    %dma_wait3A_60 = arith.constant 0 : i32
    %dma_wait3A_61 = tpu.memref_slice %arg2[%dma_wait3A_59, %dma_wait3A_60] : memref<2000x144xf32, #tpu.memory_space<hbm>> -> memref<2000x144xf32, #tpu.memory_space<hbm>>
    tpu.wait_indirect_dma semaphore(%arg16 : memref<!tpu.dma_semaphore, #tpu.memory_space<semaphore_mem>>) src(%dma_wait3A_61 : memref<2000x144xf32, #tpu.memory_space<hbm>>) dst(%arg11 : memref<128x144xf32, #tpu.memory_space<vmem>>)
    %run_scoped3A_62 = arith.constant 14 : i32
    "tpu.region"() ({
      %run_scoped3A_76 = tpu.sem_alloc : memref<!tpu.dma_semaphore, #tpu.memory_space<semaphore_mem>>
      %dma_start3A_77 = arith.constant 0 : i32
      %dma_start3A_78 = tpu.memref_slice %arg8[%run_scoped3A_62, %dma_start3A_77] : memref<16x128xi32, #tpu.memory_space<vmem>> -> memref<1x128xi32, #tpu.memory_space<vmem>>
      %dma_start3A_79 = tpu.memref_squeeze %dma_start3A_78 : memref<1x128xi32, #tpu.memory_space<vmem>> -> memref<128xi32, #tpu.memory_space<vmem>>
      %dma_start3A_80 = arith.constant 0 : i32
      %dma_start3A_81 = arith.constant 0 : i32
      %dma_start3A_82 = tpu.memref_slice %arg13[%dma_start3A_80, %dma_start3A_81] : memref<512x144xf32, #tpu.memory_space<vmem_shared>> -> memref<512x144xf32, #tpu.memory_space<vmem_shared>>
      tpu.enqueue_indirect_dma source(%arg11 : memref<128x144xf32, #tpu.memory_space<vmem>>) target(%dma_start3A_82 : memref<512x144xf32, #tpu.memory_space<vmem_shared>>) offsets(%dma_start3A_79 : memref<128xi32, #tpu.memory_space<vmem>>) semaphore(%run_scoped3A_76 : memref<!tpu.dma_semaphore, #tpu.memory_space<semaphore_mem>>) {add = true}
      %dma_wait3A_83 = arith.constant 0 : i32
      %dma_wait3A_84 = tpu.memref_slice %arg8[%run_scoped3A_62, %dma_wait3A_83] : memref<16x128xi32, #tpu.memory_space<vmem>> -> memref<1x128xi32, #tpu.memory_space<vmem>>
      %dma_wait3A_85 = tpu.memref_squeeze %dma_wait3A_84 : memref<1x128xi32, #tpu.memory_space<vmem>> -> memref<128xi32, #tpu.memory_space<vmem>>
      %dma_wait3A_86 = arith.constant 0 : i32
      %dma_wait3A_87 = arith.constant 0 : i32
      %dma_wait3A_88 = tpu.memref_slice %arg13[%dma_wait3A_86, %dma_wait3A_87] : memref<512x144xf32, #tpu.memory_space<vmem_shared>> -> memref<512x144xf32, #tpu.memory_space<vmem_shared>>
      tpu.wait_indirect_dma semaphore(%run_scoped3A_76 : memref<!tpu.dma_semaphore, #tpu.memory_space<semaphore_mem>>) src(%arg11 : memref<128x144xf32, #tpu.memory_space<vmem>>) dst(%dma_wait3A_88 : memref<512x144xf32, #tpu.memory_space<vmem_shared>>)
      tpu.yield
    }) : () -> ()
    %dma_wait3A_63 = arith.constant 0 : i32
    %dma_wait3A_64 = arith.constant 0 : i32
    %dma_wait3A_65 = tpu.memref_slice %arg7[%dma_wait3A_63, %dma_wait3A_64] : memref<16x128xi32, #tpu.memory_space<vmem>> -> memref<1x128xi32, #tpu.memory_space<vmem>>
    %dma_wait3A_66 = tpu.memref_squeeze %dma_wait3A_65 : memref<1x128xi32, #tpu.memory_space<vmem>> -> memref<128xi32, #tpu.memory_space<vmem>>
    %dma_wait3A_67 = arith.constant 0 : i32
    %dma_wait3A_68 = arith.constant 0 : i32
    %dma_wait3A_69 = tpu.memref_slice %arg2[%dma_wait3A_67, %dma_wait3A_68] : memref<2000x144xf32, #tpu.memory_space<hbm>> -> memref<2000x144xf32, #tpu.memory_space<hbm>>
    tpu.wait_indirect_dma semaphore(%arg17 : memref<!tpu.dma_semaphore, #tpu.memory_space<semaphore_mem>>) src(%dma_wait3A_69 : memref<2000x144xf32, #tpu.memory_space<hbm>>) dst(%arg12 : memref<128x144xf32, #tpu.memory_space<vmem>>)
    %run_scoped3A_70 = arith.constant 15 : i32
    "tpu.region"() ({
      %run_scoped3A_76 = tpu.sem_alloc : memref<!tpu.dma_semaphore, #tpu.memory_space<semaphore_mem>>
      %dma_start3A_77 = arith.constant 0 : i32
      %dma_start3A_78 = tpu.memref_slice %arg8[%run_scoped3A_70, %dma_start3A_77] : memref<16x128xi32, #tpu.memory_space<vmem>> -> memref<1x128xi32, #tpu.memory_space<vmem>>
      %dma_start3A_79 = tpu.memref_squeeze %dma_start3A_78 : memref<1x128xi32, #tpu.memory_space<vmem>> -> memref<128xi32, #tpu.memory_space<vmem>>
      %dma_start3A_80 = arith.constant 0 : i32
      %dma_start3A_81 = arith.constant 0 : i32
      %dma_start3A_82 = tpu.memref_slice %arg13[%dma_start3A_80, %dma_start3A_81] : memref<512x144xf32, #tpu.memory_space<vmem_shared>> -> memref<512x144xf32, #tpu.memory_space<vmem_shared>>
      tpu.enqueue_indirect_dma source(%arg12 : memref<128x144xf32, #tpu.memory_space<vmem>>) target(%dma_start3A_82 : memref<512x144xf32, #tpu.memory_space<vmem_shared>>) offsets(%dma_start3A_79 : memref<128xi32, #tpu.memory_space<vmem>>) semaphore(%run_scoped3A_76 : memref<!tpu.dma_semaphore, #tpu.memory_space<semaphore_mem>>) {add = true}
      %dma_wait3A_83 = arith.constant 0 : i32
      %dma_wait3A_84 = tpu.memref_slice %arg8[%run_scoped3A_70, %dma_wait3A_83] : memref<16x128xi32, #tpu.memory_space<vmem>> -> memref<1x128xi32, #tpu.memory_space<vmem>>
      %dma_wait3A_85 = tpu.memref_squeeze %dma_wait3A_84 : memref<1x128xi32, #tpu.memory_space<vmem>> -> memref<128xi32, #tpu.memory_space<vmem>>
      %dma_wait3A_86 = arith.constant 0 : i32
      %dma_wait3A_87 = arith.constant 0 : i32
      %dma_wait3A_88 = tpu.memref_slice %arg13[%dma_wait3A_86, %dma_wait3A_87] : memref<512x144xf32, #tpu.memory_space<vmem_shared>> -> memref<512x144xf32, #tpu.memory_space<vmem_shared>>
      tpu.wait_indirect_dma semaphore(%run_scoped3A_76 : memref<!tpu.dma_semaphore, #tpu.memory_space<semaphore_mem>>) src(%arg12 : memref<128x144xf32, #tpu.memory_space<vmem>>) dst(%dma_wait3A_88 : memref<512x144xf32, #tpu.memory_space<vmem_shared>>)
      tpu.yield
    }) : () -> ()
    %barrier3A_71 = arith.constant 0 : index
    tpu.barrier barrier_id(%barrier3A_71)
    %mul3A_72 = arith.constant 32 : i32
    %mul3A_73 = arith.muli %arg1, %mul3A_72 : i32
    %mul3A_74 = arith.constant 32 : i32
    %mul3A_75 = arith.muli %arg1, %mul3A_74 : i32
    "tpu.region"() ({
      %run_scoped3A_76 = tpu.sem_alloc : memref<!tpu.dma_semaphore, #tpu.memory_space<semaphore_mem>>
      %dma_start3A_77 = arith.constant 0 : i32
      %dma_start3A_78 = tpu.memref_slice %arg6[%arg0, %mul3A_75, %dma_start3A_77] : memref<2x512x144xf32, #tpu.memory_space<hbm>> -> memref<1x32x144xf32, #tpu.memory_space<hbm>>
      %dma_start3A_79 = tpu.memref_squeeze %dma_start3A_78 : memref<1x32x144xf32, #tpu.memory_space<hbm>> -> memref<32x144xf32, #tpu.memory_space<hbm>>
      %dma_start3A_80 = arith.constant 0 : i32
      %dma_start3A_81 = tpu.memref_slice %arg13[%mul3A_73, %dma_start3A_80] : memref<512x144xf32, #tpu.memory_space<vmem_shared>> -> memref<32x144xf32, #tpu.memory_space<vmem_shared>>
      tpu.enqueue_dma source(%dma_start3A_81 : memref<32x144xf32, #tpu.memory_space<vmem_shared>>) target(%dma_start3A_79 : memref<32x144xf32, #tpu.memory_space<hbm>>) target_semaphore(%run_scoped3A_76 : memref<!tpu.dma_semaphore, #tpu.memory_space<semaphore_mem>>)
      %dma_wait3A_82 = arith.constant 0 : i32
      %dma_wait3A_83 = tpu.memref_slice %arg6[%arg0, %mul3A_75, %dma_wait3A_82] : memref<2x512x144xf32, #tpu.memory_space<hbm>> -> memref<1x32x144xf32, #tpu.memory_space<hbm>>
      %dma_wait3A_84 = tpu.memref_squeeze %dma_wait3A_83 : memref<1x32x144xf32, #tpu.memory_space<hbm>> -> memref<32x144xf32, #tpu.memory_space<hbm>>
      %dma_wait3A_85 = arith.constant 0 : i32
      %dma_wait3A_86 = tpu.memref_slice %arg13[%mul3A_73, %dma_wait3A_85] : memref<512x144xf32, #tpu.memory_space<vmem_shared>> -> memref<32x144xf32, #tpu.memory_space<vmem_shared>>
      tpu.wait_dma2 semaphore(%run_scoped3A_76 : memref<!tpu.dma_semaphore, #tpu.memory_space<semaphore_mem>>) src(%dma_wait3A_86 : memref<32x144xf32, #tpu.memory_space<vmem_shared>>) dst(%dma_wait3A_84 : memref<32x144xf32, #tpu.memory_space<hbm>>)
      tpu.yield
    }) : () -> ()
    return
  }
}

module attributes {stable_mosaic.version = 14 : i64} {
  func.func @body(%arg0: memref<2x2048x144xf32, #tpu.memory_space<vmem>>, %arg1: memref<2000x128xf32, #tpu.memory_space<vmem>>, %arg2: memref<128x128xf32, #tpu.memory_space<vmem>>, %arg3: memref<1x128xf32, #tpu.memory_space<vmem>>, %arg4: memref<128x128xf32, #tpu.memory_space<vmem>>, %arg5: memref<2000x144xf32, #tpu.memory_space<vmem>>) attributes {dimension_semantics = [], scalar_prefetch = 0 : i64, scratch_operands = 0 : i64, tpu.core_type = #tpu.core_type<tc>} {
    %get3A = arith.constant 0 : index
    %get3A_0 = arith.constant 0 : index
    %get3A_1 = arith.constant 0 : index
    %get3A_2 = vector.load %arg0[%get3A, %get3A_0, %get3A_1] : memref<2x2048x144xf32, #tpu.memory_space<vmem>>, vector<1x2048x144xf32>
    %get3A_3 = vector.shape_cast %get3A_2 : vector<1x2048x144xf32> to vector<2048x144xf32>
    %get3A_4 = arith.constant 1 : index
    %get3A_5 = arith.constant 0 : index
    %get3A_6 = arith.constant 0 : index
    %get3A_7 = vector.load %arg0[%get3A_4, %get3A_5, %get3A_6] : memref<2x2048x144xf32, #tpu.memory_space<vmem>>, vector<1x2048x144xf32>
    %get3A_8 = vector.shape_cast %get3A_7 : vector<1x2048x144xf32> to vector<2048x144xf32>
    %add3A = arith.addf %get3A_3, %get3A_8 : vector<2048x144xf32>
    %slice3A = vector.extract_strided_slice %add3A {offsets = [0, 0], sizes = [2000, 144], strides = [1, 1]} : vector<2048x144xf32> to vector<2000x144xf32>
    %slice3A_9 = vector.extract_strided_slice %slice3A {offsets = [0, 0], sizes = [2000, 128], strides = [1, 1]} : vector<2000x144xf32> to vector<2000x128xf32>
    %slice3A_10 = vector.extract_strided_slice %slice3A {offsets = [0, 128], sizes = [2000, 1], strides = [1, 1]} : vector<2000x144xf32> to vector<2000x1xf32>
    %max3A = arith.constant 1.000000e+00 : f32
    %max3A_11 = vector.broadcast %max3A : f32 to vector<2000x1xf32>
    %max3A_12 = arith.maximumf %slice3A_10, %max3A_11 : vector<2000x1xf32>
    %div3A = vector.broadcast %max3A_12 : vector<2000x1xf32> to vector<2000x128xf32>
    %div3A_13 = arith.divf %slice3A_9, %div3A : vector<2000x128xf32>
    %get3A_14 = arith.constant 0 : index
    %get3A_15 = arith.constant 0 : index
    %get3A_16 = vector.load %arg2[%get3A_14, %get3A_15] : memref<128x128xf32, #tpu.memory_space<vmem>>, vector<128x128xf32>
    %dot_general3A = arith.constant dense<0.000000e+00> : vector<2000x128xf32>
    %dot_general3A_17 = tpu.matmul %div3A_13, %get3A_16, %dot_general3A {dimension_numbers = #tpu.dot_dimension_numbers<[1], [1], [0], [0], [0, 0, 1, 0], [], []>, transpose_lhs_hint = false} : vector<2000x128xf32>, vector<128x128xf32>, vector<2000x128xf32> -> vector<2000x128xf32>
    %get3A_18 = arith.constant 0 : index
    %get3A_19 = arith.constant 0 : index
    %get3A_20 = vector.load %arg3[%get3A_18, %get3A_19] : memref<1x128xf32, #tpu.memory_space<vmem>>, vector<1x128xf32>
    %add3A_21 = vector.broadcast %get3A_20 : vector<1x128xf32> to vector<2000x128xf32>
    %add3A_22 = arith.addf %dot_general3A_17, %add3A_21 : vector<2000x128xf32>
    %get3A_23 = arith.constant 0 : index
    %get3A_24 = arith.constant 0 : index
    %get3A_25 = vector.load %arg1[%get3A_23, %get3A_24] : memref<2000x128xf32, #tpu.memory_space<vmem>>, vector<2000x128xf32>
    %get3A_26 = arith.constant 0 : index
    %get3A_27 = arith.constant 0 : index
    %get3A_28 = vector.load %arg4[%get3A_26, %get3A_27] : memref<128x128xf32, #tpu.memory_space<vmem>>, vector<128x128xf32>
    %dot_general3A_29 = arith.constant dense<0.000000e+00> : vector<2000x128xf32>
    %dot_general3A_30 = tpu.matmul %get3A_25, %get3A_28, %dot_general3A_29 {dimension_numbers = #tpu.dot_dimension_numbers<[1], [1], [0], [0], [0, 0, 1, 0], [], []>, transpose_lhs_hint = false} : vector<2000x128xf32>, vector<128x128xf32>, vector<2000x128xf32> -> vector<2000x128xf32>
    %add3A_31 = arith.addf %add3A_22, %dot_general3A_30 : vector<2000x128xf32>
    %max3A_32 = arith.constant 0.000000e+00 : f32
    %max3A_33 = vector.broadcast %max3A_32 : f32 to vector<2000x128xf32>
    %max3A_34 = arith.maximumf %add3A_31, %max3A_33 : vector<2000x128xf32>
    %broadcast_in_dim3A = arith.constant 1.000000e+00 : f32
    %broadcast_in_dim3A_35 = vector.broadcast %broadcast_in_dim3A : f32 to vector<2000x16xf32>
    %concatenate3A = tpu.concatenate %max3A_34, %broadcast_in_dim3A_35 in 1 : vector<2000x128xf32>, vector<2000x16xf32> -> vector<2000x144xf32>
    %swap3A = arith.constant 0 : index
    %swap3A_36 = arith.constant 0 : index
    %swap3A_37 = vector.load %arg5[%swap3A, %swap3A_36] : memref<2000x144xf32, #tpu.memory_space<vmem>>, vector<2000x144xf32>
    tpu.vector_store %arg5[%swap3A, %swap3A_36], %concatenate3A {strides = array<i32>} : memref<2000x144xf32, #tpu.memory_space<vmem>>, vector<2000x144xf32>,
    return
  }
}

module attributes {stable_mosaic.version = 14 : i64} {
  func.func @body(%arg0: memref<2x512x144xf32, #tpu.memory_space<vmem>>, %arg1: memref<400x128xf32, #tpu.memory_space<vmem>>, %arg2: memref<128x128xf32, #tpu.memory_space<vmem>>, %arg3: memref<1x128xf32, #tpu.memory_space<vmem>>, %arg4: memref<128x128xf32, #tpu.memory_space<vmem>>, %arg5: memref<400x128xf32, #tpu.memory_space<vmem>>) attributes {dimension_semantics = [], scalar_prefetch = 0 : i64, scratch_operands = 0 : i64, tpu.core_type = #tpu.core_type<tc>} {
    %get3A = arith.constant 0 : index
    %get3A_0 = arith.constant 0 : index
    %get3A_1 = arith.constant 0 : index
    %get3A_2 = vector.load %arg0[%get3A, %get3A_0, %get3A_1] : memref<2x512x144xf32, #tpu.memory_space<vmem>>, vector<1x512x144xf32>
    %get3A_3 = vector.shape_cast %get3A_2 : vector<1x512x144xf32> to vector<512x144xf32>
    %get3A_4 = arith.constant 1 : index
    %get3A_5 = arith.constant 0 : index
    %get3A_6 = arith.constant 0 : index
    %get3A_7 = vector.load %arg0[%get3A_4, %get3A_5, %get3A_6] : memref<2x512x144xf32, #tpu.memory_space<vmem>>, vector<1x512x144xf32>
    %get3A_8 = vector.shape_cast %get3A_7 : vector<1x512x144xf32> to vector<512x144xf32>
    %add3A = arith.addf %get3A_3, %get3A_8 : vector<512x144xf32>
    %slice3A = vector.extract_strided_slice %add3A {offsets = [0, 0], sizes = [400, 144], strides = [1, 1]} : vector<512x144xf32> to vector<400x144xf32>
    %slice3A_9 = vector.extract_strided_slice %slice3A {offsets = [0, 0], sizes = [400, 128], strides = [1, 1]} : vector<400x144xf32> to vector<400x128xf32>
    %slice3A_10 = vector.extract_strided_slice %slice3A {offsets = [0, 128], sizes = [400, 1], strides = [1, 1]} : vector<400x144xf32> to vector<400x1xf32>
    %max3A = arith.constant 1.000000e+00 : f32
    %max3A_11 = vector.broadcast %max3A : f32 to vector<400x1xf32>
    %max3A_12 = arith.maximumf %slice3A_10, %max3A_11 : vector<400x1xf32>
    %div3A = vector.broadcast %max3A_12 : vector<400x1xf32> to vector<400x128xf32>
    %div3A_13 = arith.divf %slice3A_9, %div3A : vector<400x128xf32>
    %get3A_14 = arith.constant 0 : index
    %get3A_15 = arith.constant 0 : index
    %get3A_16 = vector.load %arg2[%get3A_14, %get3A_15] : memref<128x128xf32, #tpu.memory_space<vmem>>, vector<128x128xf32>
    %dot_general3A = arith.constant dense<0.000000e+00> : vector<400x128xf32>
    %dot_general3A_17 = tpu.matmul %div3A_13, %get3A_16, %dot_general3A {dimension_numbers = #tpu.dot_dimension_numbers<[1], [1], [0], [0], [0, 0, 1, 0], [], []>, transpose_lhs_hint = false} : vector<400x128xf32>, vector<128x128xf32>, vector<400x128xf32> -> vector<400x128xf32>
    %get3A_18 = arith.constant 0 : index
    %get3A_19 = arith.constant 0 : index
    %get3A_20 = vector.load %arg3[%get3A_18, %get3A_19] : memref<1x128xf32, #tpu.memory_space<vmem>>, vector<1x128xf32>
    %add3A_21 = vector.broadcast %get3A_20 : vector<1x128xf32> to vector<400x128xf32>
    %add3A_22 = arith.addf %dot_general3A_17, %add3A_21 : vector<400x128xf32>
    %get3A_23 = arith.constant 0 : index
    %get3A_24 = arith.constant 0 : index
    %get3A_25 = vector.load %arg1[%get3A_23, %get3A_24] : memref<400x128xf32, #tpu.memory_space<vmem>>, vector<400x128xf32>
    %get3A_26 = arith.constant 0 : index
    %get3A_27 = arith.constant 0 : index
    %get3A_28 = vector.load %arg4[%get3A_26, %get3A_27] : memref<128x128xf32, #tpu.memory_space<vmem>>, vector<128x128xf32>
    %dot_general3A_29 = arith.constant dense<0.000000e+00> : vector<400x128xf32>
    %dot_general3A_30 = tpu.matmul %get3A_25, %get3A_28, %dot_general3A_29 {dimension_numbers = #tpu.dot_dimension_numbers<[1], [1], [0], [0], [0, 0, 1, 0], [], []>, transpose_lhs_hint = false} : vector<400x128xf32>, vector<128x128xf32>, vector<400x128xf32> -> vector<400x128xf32>
    %add3A_31 = arith.addf %add3A_22, %dot_general3A_30 : vector<400x128xf32>
    %swap3A = arith.constant 0 : index
    %swap3A_32 = arith.constant 0 : index
    %swap3A_33 = vector.load %arg5[%swap3A, %swap3A_32] : memref<400x128xf32, #tpu.memory_space<vmem>>, vector<400x128xf32>
    tpu.vector_store %arg5[%swap3A, %swap3A_32], %add3A_31 {strides = array<i32>} : memref<400x128xf32, #tpu.memory_space<vmem>>, vector<400x128xf32>,
    return
  }
}

</mosaic_0001>

<sc_bundles>
// kernel: kernel.6.cloned.1.call-start
scs
__scs_entry_jumppad:
0x0: {  	(pc) =	sbr.rel $0x88, $3  }
0x1: {  	(tag) =	ssettag $0x0;
	lr =	simm.s32 $0x1  }
0x2: {  	[smem:$0x3F98] =	sst lr;
	_ =	strace $0xD0000000  }
0x3: {  	_ = 	snop  }
0x4: {  	_ = 	snop  }
0x5: {  	_ = 	snop  }
0x6: {  	_ = 	snop  }
0x7: {  	_ = 	snop  }
__scs_overlays_trampoline_lowered:
0x8: {  	[smem:$0x3FA7] =	sst s0  }
0x9: {  	[smem:$0x3FA8] =	sst s1  }
0xa: {  	[smem:$0x3FA9] =	sst s2  }
0xb: {  	[smem:$0x3FAA] =	sst s3  }
0xc: {  	[smem:$0x3FAB] =	sst s4  }
0xd: {  	[smem:$0x3FAC] =	sst s5  }
0xe: {  	[smem:$0x3FAD] =	sst s6  }
0xf: {  	[smem:$0x3FAE] =	sst s7  }
0x10: {  	[smem:$0x3FAF] =	sst s8  }
0x11: {  	[smem:$0x3FB0] =	sst s9;
	s0 =	simm.s32 @!p0 $0x0  }
0x12: {  	s1 =	sld [smem:$0x3F96];
	s0 =	simm.s32 @p0 $0x1  }
0x13: {  	[smem:$0x3FB1] =	sst s0;
	s0 =	simm.s32 @!p1 $0x0  }
0x14: {  	s2 =	sld [smem:$0x3F95];
	s0 =	simm.s32 @p1 $0x1  }
0x15: {  	[smem:$0x3FB2] =	sst s0;
	s0 =	simm.s32 @!p2 $0x0  }
0x16: {  	s3 =	sld [smem:$0x3FDB];
	s0 =	simm.s32 @p2 $0x1  }
0x17: {  	s4 =	simm.s32 $0x1BF5;
	[smem:$0x3FB4] =	sst s0  }
0x18: {  	s0 =	sld [smem:$0x3F97];
	_ =	swait.ge [sflag:s4], $0x0  }
0x19: {  	s7 =	sld [smem:$0x3F98]  }
0x1a: {  	s8 =	sadd.s32 $0xFFFFE003, lr  }
0x1b: {  	s9 =	sadd.s32 $0xFFFFFEF7, lr;
	s5 =	simm.s32 $0xFFFFFFFF;
	p2 =	slt.u32 s8, $0xFFFFF086  }
0x1c: {  	p1 =	slt.u32 s9, $0xF7A;
	s5 =	simm.s32 @!p2 $0x0  }
0x1d: {  	s5 =	simm.s32 @p1 $0x1;
	p0 =	seq.s32 s7, s2  }
0x1e: {  	s7 =	smul.u32 @!p0 $0xF7A, s2;
	p2 =	seq.s32 @!p0 s5, $0x0  }
0x1f: {  	s9 =	smul.u32 $0xF7A, s1;
	s8 =	simm.s32 @!p0 $0x1BF5;
	p2 =	por !p2, p0  }
0x20: {  	[sflag:s8] =	ssyncset.s32 @!p0 $0xFFFFF086;
	s6 =	sadd.s32 @!p0 s3, s7;
	s7 =	simm.s32 @!p0 $0x108  }
0x21: {  	s3 =	sadd.s32 s3, s9;
	s6 =	sadd.s32 @!p0 $0x88, s6;
	s7 =	simm.s32 @p2 $0x1082  }
0x22: {  	[simem:s7], [sflag:s8] =	dma.local @!p0 [hbm:s6], $0xF7A  }
0x23: {  	s9 =	sor.u32 $0xD0000000, s2;
	s6 =	simm.s32 $0x108;
	_ =	swait.ge @!p0 [sflag:s8], $0x0  }
0x24: {  	s3 =	sadd.s32 $0x88, s3;
	s6 =	simm.s32 @!p1 $0x1082;
	[sflag:s4] =	ssyncset.s32 $0xFFFFF086  }
0x25: {  	[simem:s6], [sflag:s4] =	dma.local [hbm:s3], $0xF7A  }
0x26: {  	[smem:$0x3F98] =	sst s1;
	(tag) =	ssettag s2;
	_ =	strace s9  }
0x27: {  	s1 =	sld [smem:$0x3FA8]  }
0x28: {  	s2 =	sld [smem:$0x3FA9]  }
0x29: {  	s4 =	sld [smem:$0x3FAB]  }
0x2a: {  	p0 =	seq.s32 s5, $0x0;
	s5 =	sld [smem:$0x3FAC]  }
0x2b: {  	s6 =	sld [smem:$0x3FAD]  }
0x2c: {  	s7 =	sld [smem:$0x3FAE]  }
0x2d: {  	s3 =	simm.s32 $0x108;
	s8 =	sld [smem:$0x3FAF]  }
0x2e: {  	s3 =	simm.s32 @!p0 $0x1082;
	s9 =	sld [smem:$0x3FB0]  }
0x2f: {  	lr =	sadd.s32 s0, s3;
	s0 =	sld [smem:$0x3FA7]  }
0x30: {  	s3 =	sld [smem:$0x3FAA]  }
0x31: {  	[smem:$0x3FB3] =	sst s10  }
0x32: {  	s10 =	sld [smem:$0x3FB1];
	_ =	sdelay $0x3  }
0x33: {  	p0 =	seq.s32 s10, $0x1;
	s10 =	sld [smem:$0x3FB3];
	_ =	sdelay $0x3  }
0x34: {  	[smem:$0x3FB3] =	sst s10  }
0x35: {  	s10 =	sld [smem:$0x3FB2];
	_ =	sdelay $0x3  }
0x36: {  	p1 =	seq.s32 s10, $0x1;
	s10 =	sld [smem:$0x3FB3];
	_ =	sdelay $0x3  }
0x37: {  	[smem:$0x3FB3] =	sst s10  }
0x38: {  	s10 =	sld [smem:$0x3FB4]  }
0x39: {  	_ = 	snop;
	(pc) =	sbr.ind lr, $3  }
0x3a: {  	_ = 	snop  }
0x3b: {  	_ = 	snop  }
0x3c: {  	p2 =	seq.s32 s10, $0x1;
	s10 =	sld [smem:$0x3FB3]  }
0x3d: {  	_ =	shalt  }
0x3e: {  	_ =	shalt  }
0x3f: {  	_ =	shalt  }
0x40: {  	_ =	shalt  }
0x41: {  	_ =	shalt  }
0x42: {  	_ =	shalt  }
0x43: {  	_ =	shalt  }
0x44: {  	_ =	shalt  }
0x45: {  	_ =	shalt  }
0x46: {  	_ =	shalt  }
0x47: {  	_ =	shalt  }
0x48: {  	_ =	shalt  }
0x49: {  	_ =	shalt  }
0x4a: {  	_ =	shalt  }
0x4b: {  	_ =	shalt  }
0x4c: {  	_ =	shalt  }
0x4d: {  	_ =	shalt  }
0x4e: {  	_ =	shalt  }
0x4f: {  	_ =	shalt  }
0x50: {  	_ =	shalt  }
0x51: {  	_ =	shalt  }
0x52: {  	_ =	shalt  }
0x53: {  	_ =	shalt  }
0x54: {  	_ =	shalt  }
0x55: {  	_ =	shalt  }
0x56: {  	_ =	shalt  }
0x57: {  	_ =	shalt  }
0x58: {  	_ =	shalt  }
0x59: {  	_ =	shalt  }
0x5a: {  	_ =	shalt  }
0x5b: {  	_ =	shalt  }
0x5c: {  	_ =	shalt  }
0x5d: {  	_ =	shalt  }
0x5e: {  	_ =	shalt  }
0x5f: {  	_ =	shalt  }
0x60: {  	_ =	shalt  }
0x61: {  	_ =	shalt  }
0x62: {  	_ =	shalt  }
0x63: {  	_ =	shalt  }
0x64: {  	_ =	shalt  }
0x65: {  	_ =	shalt  }
0x66: {  	_ =	shalt  }
0x67: {  	_ =	shalt  }
0x68: {  	_ =	shalt  }
0x69: {  	_ =	shalt  }
0x6a: {  	_ =	shalt  }
0x6b: {  	_ =	shalt  }
0x6c: {  	_ =	shalt  }
0x6d: {  	_ =	shalt  }
0x6e: {  	_ =	shalt  }
0x6f: {  	_ =	shalt  }
0x70: {  	_ =	shalt  }
0x71: {  	_ =	shalt  }
0x72: {  	_ =	shalt  }
0x73: {  	_ =	shalt  }
0x74: {  	_ =	shalt  }
0x75: {  	_ =	shalt  }
0x76: {  	_ =	shalt  }
0x77: {  	_ =	shalt  }
0x78: {  	_ =	shalt  }
0x79: {  	_ =	shalt  }
0x7a: {  	_ =	shalt  }
0x7b: {  	_ =	shalt  }
0x7c: {  	_ =	shalt  }
0x7d: {  	_ =	shalt  }
0x7e: {  	_ =	shalt  }
0x7f: {  	_ =	shalt  }
0x80: {  	_ =	shalt  }
0x81: {  	_ =	shalt  }
0x82: {  	_ =	shalt  }
0x83: {  	_ =	shalt  }
0x84: {  	_ =	shalt  }
0x85: {  	_ =	shalt  }
0x86: {  	_ =	shalt  }
0x87: {  	_ =	shalt  }
.Lfunc_end0:
.L_simem_size_0:
called_computation_lowered:
.L_overlay_start_0:
0x88: {  	s2 =	sld [smem:$0x3FD9]  }
0x89: {  	s3 =	sld [smem:$0x3FFE];
	_ =	sdelay $0x1  }
0x8a: {  	s1 =	srdreg.scid  }
0x8b: {  	s0 =	sand.u32 $0x1, s1  }
0x8c: {  	s16 =	sshll.u32 s0, $0xA;
	s2 =	sadd.s32 s3, s2  }
0x8d: {  	s2 =	sadd.s32 s2, s16  }
0x8e: {  	[smem:$0x3FBF] =	sst s2  }
0x8f: {  	_ = 	snop  }
0x90: {  	(tm) =	ssettm $0x1  }
0x91: {  	s17 =	sld [smem:$0x3FFB];
	_ =	sdelay $0x3  }
0x92: {  	_ =	strace s17  }
0x93: {  	s2 =	sld [smem:$0x3FFC];
	_ =	sdelay $0x3  }
0x94: {  	_ =	strace s2  }
0x95: {  	s2 =	sld [smem:$0x3FFD];
	_ =	sdelay $0x3  }
0x96: {  	_ =	strace s2  }
0x97: {  	_ =	strace $0x8FFFFFFF  }
0x98: {  	s18 =	sld [smem:$0x3FDB];
	_ =	sdelay $0x1  }
0x99: {  	s19 =	simm.s32 $_scs_section_size  }
0x9a: {  	s4 =	simm.s32 $_size__tile_overlayer_lowered;
	s5 =	simm.s32 $_tile_overlayer_lowered  }
0x9b: {  	s22 =	simm.s32 $0x1BFF;
	s21 =	sshll.u32 s5, $0x1;
	s2 =	sadd.s32 s19, s18  }
0x9c: {  	s6 =	simm.s32 $0x0;
	s20 =	sshll.u32 s4, $0x1;
	s4 =	sadd.s32 s21, s2  }
0x9d: {  	[timem:s6], [sflag:s22] =	dma.local [hbm:s4], s20  }
0x9e: {  	_ =	swait.ge [sflag:s22], s20  }
0x9f: {  	s3 =	ssub.s32 $0x0, s20;
	[sflag:s22] =	ssyncset.done $0x0  }
0xa0: {  	[sflag:s22] =	ssyncadd.s32 s3;
	_ =	sdelay $0x1  }
0xa1: {  	s23 =	simm.s32 $0x1B8B  }
0xa2: {  	_ =	swait.ge [sflag:s23], $0x1  }
0xa3: {  	[sflag:s23] =	ssyncset.done $0x0  }
0xa4: {  	s25 =	simm.s32 $0x1B8E;
	s24 =	sld [smem:$0x3FFE];
	[sflag:s23] =	ssyncadd.s32 $0xFFFFFFFF  }
0xa5: {  	s26 =	simm.s32 $execute0_lowered;
	[smem:$0x3FD2] =	sst s25  }
0xa6: {  	s4 =	sshll.u32 s26, $0x1;
	_ =	strace $0x80000046;
	[dreg:$0x1] =	wrdreg $0xFFFFFFFF  }
0xa7: {  	s28 =	simm.s32 $_size_execute0_lowered;
	s2 =	sadd.s32 s2, s4;
	[dreg:$0x0] =	wrdreg $0x0  }
0xa8: {  	s4 =	sshll.u32 s28, $0x1;
	[dreg:$0x2] =	wrdreg s2  }
0xa9: {  	[dreg:$0x3] =	wrdreg s4  }
0xaa: {  	[dreg:$0x4] =	wrdreg $0xC0  }
0xab: {  	_ =	task [dreg:s6], $0x5FFFF  }
0xac: {  	[dreg:$0x1] =	wrdreg $0xFFFFFFFF  }
0xad: {  	[dreg:$0x0] =	wrdreg $0x60  }
0xae: {  	[dreg:$0x2] =	wrdreg s24  }
0xaf: {  	[dreg:$0x3] =	wrdreg $0x170000  }
0xb0: {  	[dreg:$0x4] =	wrdreg $0x9  }
0xb1: {  	_ =	task.clear_ibuf [dreg:s6], $0x5FFFF;
	_ =	strace $0x90000046  }
0xb2: {  	s29 =	simm.s32 $0x9;
	_ =	strace $0x80000048  }
0xb3: {  	_ =	swait.ge [sflag:s29], $0x1  }
0xb4: {  	[sflag:s29] =	ssyncadd.s32 $0xFFFFFFFF  }
0xb5: {  	_ =	strace $0x90000048  }
0xb6: {  	_ =	sfence  }
0xb7: {  	s30 =	sld [smem:$0x0];
	_ =	sdelay $0x2  }
0xb8: {  	s31 =	sshll.u32 s1, $0xD;
	s1 =	sshrl.u32 s1, $0x2  }
0xb9: {  	s3 =	sand.u32 $0x4000, s31;
	s1 =	sadd.s32 s1, s30  }
0xba: {  	s0 =	sor.u32 s3, s0;
	s1 =	sshll.u32 s1, $0x11  }
0xbb: {  	s0 =	sor.u32 s1, s0  }
0xbc: {  	s0 =	sadd.s32 $0x8F2B, s0  }
0xbd: {  	[sflag:s0] =	ssyncadd.remote.s32 $0x1  }
0xbe: {  	_ =	sfence.sel $0xFFFF  }
0xbf: {  	[dreg:$0x0] =	wrdreg $0xFFFFFFFF;
	(pc) =	sbr.abs _section_cstart, $3  }
0xc0: {  	[dreg:$0x1] =	wrdreg $0xFFFFFFFF  }
0xc1: {  	_ =	task.clear_ibuf [dreg:s6], $0x2FFFF;
	_ =	strace $0x9FFFFFFF  }
0xc2: {  	(tm) =	ssettm $0x7FFFFFFF  }
0xc3: {  	_ =	shalt  }
tec
execute0_lowered:
.L_overlay_start_1:
0x0: {  	(tag) =	ssettag $0x1  }
0x1: {  	s1 =	srdreg.scid;
	s0 =	stileid.u32  }
0x2: {  	s5 =	rddreg [dreg:$0x0];
	s13 =	simm.s32 $0x2800;
	s14 =	simm.s32 $0x80  }
0x3: {  	s15 =	simm.s32 $0x5000;
	s16 =	simm.s32 $0x9800;
	s17 =	simm.s32 $0x100  }
0x4: {  	s18 =	simm.s32 $0xE000;
	s19 =	simm.s32 $0x180;
	s20 =	simm.s32 $0x12800  }
0x5: {  	s21 =	simm.s32 $0x1;
	s22 =	simm.s32 $0x2;
	s23 =	simm.s32 $0x3  }
0x6: {  	s24 =	simm.s32 $0x4;
	s28 =	simm.s32 $0x4F00;
	s29 =	simm.s32 $0x4F80  }
0x7: {  	s30 =	simm.s32 $0x0;
	s1 =	sand.u32 $0x1, s1;
	s2 =	sshll.u32 s0, $0x1  }
0x8: {  	s7 =	smul.u32 $0x4800, s0;
	s4 =	sadd.s32 $0x600, s5;
	s31 =	sshll.u32 s0, $0x6  }
0x9: {  	s3 =	sor.u32 s1, s2;
	s2 =	rddreg [dreg:$0x1];
	s8 =	smul.u32 $0x48000, s1  }
0xa: {  	s1 =	ssub.s32 $0x2, s1;
	s6 =	smul.u32 $0x500, s3;
	s3 =	simm.s32 $0x0  }
0xb: {  	s26 =	sshrl.u32 s7, $0x3;
	s10 =	sshrl.u32 s1, $0x1;
	s12 =	sadd.s32 s7, s2  }
0xc: {  	[smem:$0x7FF] =	sst s3;
	s25 =	sadd.s32 s7, s8;
	s8 =	sadd.s32 s26, s5  }
0xd: {  	s1 =	ssub.s32 s1, s10;
	s26 =	simm.s32 $0x4E80;
	_ =	strace $0x80000047  }
0xe: {  	s9 =	sadd.s32 s6, s5;
	s6 =	sshrl.u32 s25, $0x3;
	s10 =	smax.u32 s1, $0x1  }
0xf: {  	s25 =	simm.s32 $0x4E00;
	s11 =	sadd.s32 s6, s5;
	s5 =	sadd.s32 $0x40600, s8  }
0x10: {  	s6 =	sor.u32 $0x1C05, s31;
	s7 =	sadd.s32 $0x2C600, s9;
	s8 =	sadd.s32 $0x36600, s9  }
0x11: {  	s9 =	sadd.s32 $0x49600, s11;
	s11 =	sshrl.u32 s12, $0x3;
	s12 =	simm.s32 $0x5  }
.LBB2_1:
0x12: {  	[spmem:s11], [sflag:s6] =	dma.local [hbm:s5], $0x900  }
0x13: {  	_ =	swait.ge [sflag:s12], $0x900  }
0x14: {  	[sflag:s12] =	ssyncset.done $0x0  }
0x15: {  	[sflag:s12] =	ssyncadd.s32 $0xFFFFF700  }
0x16: {  	[tilespmem:s3], [sflag:$0x5] =	stream.linear.gather [hbm4b:s7+s3], $0x2800, $0x38;
	[tilespmem:$0x1B800] =	vst v63  }
0x17: {  	_ =	swait.ge [sflag:s12], $0x2800  }
0x18: {  	[sflag:s12] =	ssyncset.done $0x0  }
0x19: {  	[sflag:s12] =	ssyncadd.s32 $0xFFFFD800  }
0x1a: {  	[tilespmem:s13], [sflag:$0x5] =	stream.linear.gather [hbm4b:s8+s3], $0x2800, $0x38;
	[tilespmem:$0x1B800] =	vst v63  }
0x1b: {  	_ =	swait.ge [sflag:s12], $0x2800  }
0x1c: {  	[sflag:s12] =	ssyncset.done $0x0  }
0x1d: {  	[sflag:s12] =	ssyncadd.s32 $0xFFFFD800  }
0x1e: {  	[bflag:$0x0] =	sbarrier.arrive $0xFFFF  }
0x1f: {  	[tilespmem:s15], [sflag:$0x1] =	stream.indirect.gather [hbm4b:s4+s14], $0x90, s3, s14, $0xb8;
	[tilespmem:$0x1B800] =	vst v63  }
0x20: {  	_ = 	snop  }
0x21: {  	[tilespmem:s16], [sflag:$0x2] =	stream.indirect.gather [hbm4b:s4+s14], $0x90, s14, s14, $0xb8;
	[tilespmem:$0x1B800] =	vst v63  }
0x22: {  	_ = 	snop  }
0x23: {  	[tilespmem:s18], [sflag:$0x3] =	stream.indirect.gather [hbm4b:s4+s14], $0x90, s17, s14, $0xb8;
	[tilespmem:$0x1B800] =	vst v63  }
0x24: {  	_ = 	snop  }
0x25: {  	[tilespmem:s20], [sflag:$0x4] =	stream.indirect.gather [hbm4b:s4+s14], $0x90, s19, s14, $0xb8;
	[tilespmem:$0x1B800] =	vst v63  }
0x26: {  	_ =	swait.ge [sflag:s21], $0x4800  }
0x27: {  	[sflag:s21] =	ssyncset.done $0x0  }
0x28: {  	s1 =	simm.s32 $0x2800;
	[sflag:s21] =	ssyncadd.s32 $0xFFFFB800  }
0x29: {  	[spmem:s2] =	stream.indirect.scatter.add.f32 [tilespmem:s15], [sflag:$0x5], $0x90, s1, s14, $0xb8;
	[tilespmem:$0x1B800] =	vst v63  }
0x2a: {  	_ =	swait.ge [sflag:s12], $0x4800  }
0x2b: {  	[sflag:s12] =	ssyncset.done $0x0  }
0x2c: {  	s0 =	simm.s32 $0x200;
	[sflag:s12] =	ssyncadd.s32 $0xFFFFB800  }
0x2d: {  	[tilespmem:s15], [sflag:$0x1] =	stream.indirect.gather [hbm4b:s4+s14], $0x90, s0, s14, $0xb8;
	[tilespmem:$0x1B800] =	vst v63  }
0x2e: {  	_ =	swait.ge [sflag:s22], $0x4800  }
0x2f: {  	[sflag:s22] =	ssyncset.done $0x0  }
0x30: {  	s0 =	simm.s32 $0x2880;
	[sflag:s22] =	ssyncadd.s32 $0xFFFFB800  }
0x31: {  	[spmem:s2] =	stream.indirect.scatter.add.f32 [tilespmem:s16], [sflag:$0x5], $0x90, s0, s14, $0xb8;
	[tilespmem:$0x1B800] =	vst v63  }
0x32: {  	_ =	swait.ge [sflag:s12], $0x4800  }
0x33: {  	[sflag:s12] =	ssyncset.done $0x0  }
0x34: {  	s0 =	simm.s32 $0x280;
	[sflag:s12] =	ssyncadd.s32 $0xFFFFB800  }
0x35: {  	[tilespmem:s16], [sflag:$0x2] =	stream.indirect.gather [hbm4b:s4+s14], $0x90, s0, s14, $0xb8;
	[tilespmem:$0x1B800] =	vst v63  }
0x36: {  	_ =	swait.ge [sflag:s23], $0x4800  }
0x37: {  	[sflag:s23] =	ssyncset.done $0x0  }
0x38: {  	s0 =	simm.s32 $0x2900;
	[sflag:s23] =	ssyncadd.s32 $0xFFFFB800  }
0x39: {  	[spmem:s2] =	stream.indirect.scatter.add.f32 [tilespmem:s18], [sflag:$0x5], $0x90, s0, s14, $0xb8;
	[tilespmem:$0x1B800] =	vst v63  }
0x3a: {  	_ =	swait.ge [sflag:s12], $0x4800  }
0x3b: {  	[sflag:s12] =	ssyncset.done $0x0  }
0x3c: {  	s0 =	simm.s32 $0x300;
	[sflag:s12] =	ssyncadd.s32 $0xFFFFB800  }
0x3d: {  	[tilespmem:s18], [sflag:$0x3] =	stream.indirect.gather [hbm4b:s4+s14], $0x90, s0, s14, $0xb8;
	[tilespmem:$0x1B800] =	vst v63  }
0x3e: {  	_ =	swait.ge [sflag:s24], $0x4800  }
0x3f: {  	[sflag:s24] =	ssyncset.done $0x0  }
0x40: {  	s0 =	simm.s32 $0x2980;
	[sflag:s24] =	ssyncadd.s32 $0xFFFFB800  }
0x41: {  	[spmem:s2] =	stream.indirect.scatter.add.f32 [tilespmem:s20], [sflag:$0x5], $0x90, s0, s14, $0xb8;
	[tilespmem:$0x1B800] =	vst v63  }
0x42: {  	_ =	swait.ge [sflag:s12], $0x4800  }
0x43: {  	[sflag:s12] =	ssyncset.done $0x0  }
0x44: {  	s31 =	simm.s32 $0x800;
	s1 =	simm.s32 $0x380;
	[sflag:s12] =	ssyncadd.s32 $0xFFFFB800  }
.LBB2_2:
0x45: {  	[tilespmem:s20], [sflag:$0x4] =	stream.indirect.gather [hbm4b:s4+s14], $0x90, s1, s14, $0xb8;
	[tilespmem:$0x1B800] =	vst v63  }
0x46: {  	s1 =	smov.u32 s31  }
0x47: {  	p0 =	sne.s32 s31, $0x9000;
	s31 =	sadd.s32 $0x800, s31;
	_ =	swait.ge [sflag:s21], $0x4800  }
0x48: {  	s1 =	sshra.s32 s1, $0x2;
	[sflag:s21] =	ssyncset.done $0x0  }
0x49: {  	s0 =	sadd.s32 $0x2800, s1;
	[sflag:s21] =	ssyncadd.s32 $0xFFFFB800  }
0x4a: {  	[spmem:s2] =	stream.indirect.scatter.add.f32 [tilespmem:s15], [sflag:$0x5], $0x90, s0, s14, $0xb8;
	[tilespmem:$0x1B800] =	vst v63  }
0x4b: {  	_ =	swait.ge [sflag:s12], $0x4800  }
0x4c: {  	[sflag:s12] =	ssyncset.done $0x0  }
0x4d: {  	s0 =	sadd.s32 $0x200, s1;
	[sflag:s12] =	ssyncadd.s32 $0xFFFFB800  }
0x4e: {  	[tilespmem:s15], [sflag:$0x1] =	stream.indirect.gather [hbm4b:s4+s14], $0x90, s0, s14, $0xb8;
	[tilespmem:$0x1B800] =	vst v63  }
0x4f: {  	_ =	swait.ge [sflag:s22], $0x4800  }
0x50: {  	[sflag:s22] =	ssyncset.done $0x0  }
0x51: {  	s0 =	sadd.s32 $0x2880, s1;
	[sflag:s22] =	ssyncadd.s32 $0xFFFFB800  }
0x52: {  	[spmem:s2] =	stream.indirect.scatter.add.f32 [tilespmem:s16], [sflag:$0x5], $0x90, s0, s14, $0xb8;
	[tilespmem:$0x1B800] =	vst v63  }
0x53: {  	_ =	swait.ge [sflag:s12], $0x4800  }
0x54: {  	[sflag:s12] =	ssyncset.done $0x0  }
0x55: {  	s0 =	sadd.s32 $0x280, s1;
	[sflag:s12] =	ssyncadd.s32 $0xFFFFB800  }
0x56: {  	[tilespmem:s16], [sflag:$0x2] =	stream.indirect.gather [hbm4b:s4+s14], $0x90, s0, s14, $0xb8;
	[tilespmem:$0x1B800] =	vst v63  }
0x57: {  	_ =	swait.ge [sflag:s23], $0x4800  }
0x58: {  	[sflag:s23] =	ssyncset.done $0x0  }
0x59: {  	s0 =	sadd.s32 $0x2900, s1;
	[sflag:s23] =	ssyncadd.s32 $0xFFFFB800  }
0x5a: {  	[spmem:s2] =	stream.indirect.scatter.add.f32 [tilespmem:s18], [sflag:$0x5], $0x90, s0, s14, $0xb8;
	[tilespmem:$0x1B800] =	vst v63  }
0x5b: {  	_ =	swait.ge [sflag:s12], $0x4800  }
0x5c: {  	[sflag:s12] =	ssyncset.done $0x0  }
0x5d: {  	s0 =	sadd.s32 $0x300, s1;
	[sflag:s12] =	ssyncadd.s32 $0xFFFFB800  }
0x5e: {  	[tilespmem:s18], [sflag:$0x3] =	stream.indirect.gather [hbm4b:s4+s14], $0x90, s0, s14, $0xb8;
	[tilespmem:$0x1B800] =	vst v63  }
0x5f: {  	_ =	swait.ge [sflag:s24], $0x4800  }
0x60: {  	[sflag:s24] =	ssyncset.done $0x0  }
.Ltmp0:
0x61: {  	s0 =	sadd.s32 $0x2980, s1;
	[sflag:s24] =	ssyncadd.s32 $0xFFFFB800;
	(pc) =	sbr.rel @p0 .LBB2_2-.Ltmp0, $4  }
0x62: {  	[spmem:s2] =	stream.indirect.scatter.add.f32 [tilespmem:s20], [sflag:$0x5], $0x90, s0, s14, $0xb8;
	[tilespmem:$0x1B800] =	vst v63  }
0x63: {  	_ =	swait.ge [sflag:s12], $0x4800  }
0x64: {  	[sflag:s12] =	ssyncset.done $0x0  }
0x65: {  	s1 =	sadd.s32 $0x380, s1;
	[sflag:s12] =	ssyncadd.s32 $0xFFFFB800  }
0x66: {  	[tilespmem:s20], [sflag:$0x4] =	stream.indirect.gather [hbm4b:s4+s14], $0x90, s1, s14, $0xb8;
	[tilespmem:$0x1B800] =	vst v63  }
0x67: {  	_ =	swait.ge [sflag:s21], $0x4800  }
0x68: {  	[sflag:s21] =	ssyncset.done $0x0  }
0x69: {  	[sflag:s21] =	ssyncadd.s32 $0xFFFFB800  }
0x6a: {  	[spmem:s2] =	stream.indirect.scatter.add.f32 [tilespmem:s15], [sflag:$0x5], $0x90, s25, s14, $0xb8;
	[tilespmem:$0x1B800] =	vst v63  }
0x6b: {  	_ =	swait.ge [sflag:s12], $0x4800  }
0x6c: {  	[sflag:s12] =	ssyncset.done $0x0  }
0x6d: {  	[sflag:s12] =	ssyncadd.s32 $0xFFFFB800  }
0x6e: {  	_ =	swait.ge [sflag:s22], $0x4800  }
0x6f: {  	[sflag:s22] =	ssyncset.done $0x0  }
0x70: {  	[sflag:s22] =	ssyncadd.s32 $0xFFFFB800  }
0x71: {  	[spmem:s2] =	stream.indirect.scatter.add.f32 [tilespmem:s16], [sflag:$0x5], $0x90, s26, s14, $0xb8;
	[tilespmem:$0x1B800] =	vst v63  }
0x72: {  	_ =	swait.ge [sflag:s12], $0x4800  }
0x73: {  	[sflag:s12] =	ssyncset.done $0x0  }
0x74: {  	[sflag:s12] =	ssyncadd.s32 $0xFFFFB800  }
0x75: {  	_ =	swait.ge [sflag:s23], $0x4800  }
0x76: {  	[sflag:s23] =	ssyncset.done $0x0  }
0x77: {  	[sflag:s23] =	ssyncadd.s32 $0xFFFFB800  }
0x78: {  	[spmem:s2] =	stream.indirect.scatter.add.f32 [tilespmem:s18], [sflag:$0x5], $0x90, s28, s14, $0xb8;
	[tilespmem:$0x1B800] =	vst v63  }
0x79: {  	_ =	swait.ge [sflag:s12], $0x4800  }
0x7a: {  	[sflag:s12] =	ssyncset.done $0x0  }
0x7b: {  	[sflag:s12] =	ssyncadd.s32 $0xFFFFB800  }
0x7c: {  	_ =	swait.ge [sflag:s24], $0x4800  }
0x7d: {  	[sflag:s24] =	ssyncset.done $0x0  }
0x7e: {  	[sflag:s24] =	ssyncadd.s32 $0xFFFFB800  }
0x7f: {  	[spmem:s2] =	stream.indirect.scatter.add.f32 [tilespmem:s20], [sflag:$0x5], $0x90, s29, s14, $0xb8;
	[tilespmem:$0x1B800] =	vst v63  }
0x80: {  	_ =	swait.ge [sflag:s12], $0x4800  }
0x81: {  	s30 =	sadd.s32 $0x1, s30;
	[sflag:s12] =	ssyncset.done $0x0  }
0x82: {  	p0 =	sne.s32 s30, s10;
	[sflag:s12] =	ssyncadd.s32 $0xFFFFB800  }
.Ltmp1:
0x83: {  	[bflag:$0x0] =	sbarrier.arrive $0xFFFF;
	(pc) =	sbr.rel @p0 .LBB2_1-.Ltmp1, $4  }
0x84: {  	[hbm:s9], [sflag:s6] =	dma.local [spmem:s11], $0x900  }
0x85: {  	_ =	swait.ge [sflag:s12], $0x900  }
0x86: {  	[sflag:s12] =	ssyncset.done $0x0  }
0x87: {  	[sflag:s12] =	ssyncadd.s32 $0xFFFFF700  }
0x88: {  	_ =	sfence.sel $0x180000  }
0x89: {  	[bflag:$0x0] =	sbarrier.arrive $0xFFFF  }
0x8a: {  	_ =	strace $0x90000047  }
0x8b: {  	s0 =	stileid.u32;
	[bflag:$0x2] =	sbarrier.arrive $0xFFFF  }
0x8c: {  	p0 =	sne.s32 s0, $0x0;
	s0 =	rddreg [dreg:$0x2]  }
0x8d: {  	s0 =	sadd.s32 @!p0 $0x100000, s0  }
0x8e: {  	[sflag:s0] =	ssyncadd.tile.s32 @!p0 $0x1;
	_ =	shalt  }
.Lfunc_end2:
_tile_overlayer_lowered:
.L_overlay_start_2:
0x8f: {  	(tag) =	ssettag $0x2  }
0x90: {  	s0 =	rddreg [dreg:$0x0];
	s2 =	stileid.u32  }
0x91: {  	s1 =	rddreg [dreg:$0x1];
	p0 =	sne.s32 s2, $0x0  }
0x92: {  	s3 =	rddreg [dreg:$0x2];
	[bflag:$0x3] =	sbarrier.arrive $0xFFFF;
	s2 =	simm.s32 @!p0 $0x1C05  }
0x93: {  	[timem:s3], [sflag:s2] =	dma.local @!p0 [hbm:s0], s1  }
0x94: {  	s0 =	simm.s32 @!p0 $0x5  }
0x95: {  	_ =	swait.ge @!p0 [sflag:s0], s1  }
0x96: {  	s1 =	ssub.s32 @!p0 $0x0, s1;
	[sflag:s0] =	ssyncset.done @!p0 $0x0  }
0x97: {  	[sflag:s0] =	ssyncadd.s32 @!p0 s1  }
0x98: {  	[bflag:$0x3] =	sbarrier.arrive $0xFFFF  }
0x99: {  	_ =	shalt  }

// kernel: kernel.9.cloned.1.call-start
scs
__scs_entry_jumppad:
0x0: {  	(pc) =	sbr.rel $0x88, $3  }
0x1: {  	(tag) =	ssettag $0x0;
	lr =	simm.s32 $0x1  }
0x2: {  	[smem:$0x3F98] =	sst lr;
	_ =	strace $0xD0000000  }
0x3: {  	_ = 	snop  }
0x4: {  	_ = 	snop  }
0x5: {  	_ = 	snop  }
0x6: {  	_ = 	snop  }
0x7: {  	_ = 	snop  }
__scs_overlays_trampoline_lowered:
0x8: {  	[smem:$0x3FA7] =	sst s0  }
0x9: {  	[smem:$0x3FA8] =	sst s1  }
0xa: {  	[smem:$0x3FA9] =	sst s2  }
0xb: {  	[smem:$0x3FAA] =	sst s3  }
0xc: {  	[smem:$0x3FAB] =	sst s4  }
0xd: {  	[smem:$0x3FAC] =	sst s5  }
0xe: {  	[smem:$0x3FAD] =	sst s6  }
0xf: {  	[smem:$0x3FAE] =	sst s7  }
0x10: {  	[smem:$0x3FAF] =	sst s8  }
0x11: {  	[smem:$0x3FB0] =	sst s9;
	s0 =	simm.s32 @!p0 $0x0  }
0x12: {  	s1 =	sld [smem:$0x3F96];
	s0 =	simm.s32 @p0 $0x1  }
0x13: {  	[smem:$0x3FB1] =	sst s0;
	s0 =	simm.s32 @!p1 $0x0  }
0x14: {  	s2 =	sld [smem:$0x3F95];
	s0 =	simm.s32 @p1 $0x1  }
0x15: {  	[smem:$0x3FB2] =	sst s0;
	s0 =	simm.s32 @!p2 $0x0  }
0x16: {  	s3 =	sld [smem:$0x3FDB];
	s0 =	simm.s32 @p2 $0x1  }
0x17: {  	s4 =	simm.s32 $0x1BF5;
	[smem:$0x3FB4] =	sst s0  }
0x18: {  	s0 =	sld [smem:$0x3F97];
	_ =	swait.ge [sflag:s4], $0x0  }
0x19: {  	s7 =	sld [smem:$0x3F98]  }
0x1a: {  	s8 =	sadd.s32 $0xFFFFE003, lr  }
0x1b: {  	s9 =	sadd.s32 $0xFFFFFEF7, lr;
	s5 =	simm.s32 $0xFFFFFFFF;
	p2 =	slt.u32 s8, $0xFFFFF086  }
0x1c: {  	p1 =	slt.u32 s9, $0xF7A;
	s5 =	simm.s32 @!p2 $0x0  }
0x1d: {  	s5 =	simm.s32 @p1 $0x1;
	p0 =	seq.s32 s7, s2  }
0x1e: {  	s7 =	smul.u32 @!p0 $0xF7A, s2;
	p2 =	seq.s32 @!p0 s5, $0x0  }
0x1f: {  	s9 =	smul.u32 $0xF7A, s1;
	s8 =	simm.s32 @!p0 $0x1BF5;
	p2 =	por !p2, p0  }
0x20: {  	[sflag:s8] =	ssyncset.s32 @!p0 $0xFFFFF086;
	s6 =	sadd.s32 @!p0 s3, s7;
	s7 =	simm.s32 @!p0 $0x108  }
0x21: {  	s3 =	sadd.s32 s3, s9;
	s6 =	sadd.s32 @!p0 $0x88, s6;
	s7 =	simm.s32 @p2 $0x1082  }
0x22: {  	[simem:s7], [sflag:s8] =	dma.local @!p0 [hbm:s6], $0xF7A  }
0x23: {  	s9 =	sor.u32 $0xD0000000, s2;
	s6 =	simm.s32 $0x108;
	_ =	swait.ge @!p0 [sflag:s8], $0x0  }
0x24: {  	s3 =	sadd.s32 $0x88, s3;
	s6 =	simm.s32 @!p1 $0x1082;
	[sflag:s4] =	ssyncset.s32 $0xFFFFF086  }
0x25: {  	[simem:s6], [sflag:s4] =	dma.local [hbm:s3], $0xF7A  }
0x26: {  	[smem:$0x3F98] =	sst s1;
	(tag) =	ssettag s2;
	_ =	strace s9  }
0x27: {  	s1 =	sld [smem:$0x3FA8]  }
0x28: {  	s2 =	sld [smem:$0x3FA9]  }
0x29: {  	s4 =	sld [smem:$0x3FAB]  }
0x2a: {  	p0 =	seq.s32 s5, $0x0;
	s5 =	sld [smem:$0x3FAC]  }
0x2b: {  	s6 =	sld [smem:$0x3FAD]  }
0x2c: {  	s7 =	sld [smem:$0x3FAE]  }
0x2d: {  	s3 =	simm.s32 $0x108;
	s8 =	sld [smem:$0x3FAF]  }
0x2e: {  	s3 =	simm.s32 @!p0 $0x1082;
	s9 =	sld [smem:$0x3FB0]  }
0x2f: {  	lr =	sadd.s32 s0, s3;
	s0 =	sld [smem:$0x3FA7]  }
0x30: {  	s3 =	sld [smem:$0x3FAA]  }
0x31: {  	[smem:$0x3FB3] =	sst s10  }
0x32: {  	s10 =	sld [smem:$0x3FB1];
	_ =	sdelay $0x3  }
0x33: {  	p0 =	seq.s32 s10, $0x1;
	s10 =	sld [smem:$0x3FB3];
	_ =	sdelay $0x3  }
0x34: {  	[smem:$0x3FB3] =	sst s10  }
0x35: {  	s10 =	sld [smem:$0x3FB2];
	_ =	sdelay $0x3  }
0x36: {  	p1 =	seq.s32 s10, $0x1;
	s10 =	sld [smem:$0x3FB3];
	_ =	sdelay $0x3  }
0x37: {  	[smem:$0x3FB3] =	sst s10  }
0x38: {  	s10 =	sld [smem:$0x3FB4]  }
0x39: {  	_ = 	snop;
	(pc) =	sbr.ind lr, $3  }
0x3a: {  	_ = 	snop  }
0x3b: {  	_ = 	snop  }
0x3c: {  	p2 =	seq.s32 s10, $0x1;
	s10 =	sld [smem:$0x3FB3]  }
0x3d: {  	_ =	shalt  }
0x3e: {  	_ =	shalt  }
0x3f: {  	_ =	shalt  }
0x40: {  	_ =	shalt  }
0x41: {  	_ =	shalt  }
0x42: {  	_ =	shalt  }
0x43: {  	_ =	shalt  }
0x44: {  	_ =	shalt  }
0x45: {  	_ =	shalt  }
0x46: {  	_ =	shalt  }
0x47: {  	_ =	shalt  }
0x48: {  	_ =	shalt  }
0x49: {  	_ =	shalt  }
0x4a: {  	_ =	shalt  }
0x4b: {  	_ =	shalt  }
0x4c: {  	_ =	shalt  }
0x4d: {  	_ =	shalt  }
0x4e: {  	_ =	shalt  }
0x4f: {  	_ =	shalt  }
0x50: {  	_ =	shalt  }
0x51: {  	_ =	shalt  }
0x52: {  	_ =	shalt  }
0x53: {  	_ =	shalt  }
0x54: {  	_ =	shalt  }
0x55: {  	_ =	shalt  }
0x56: {  	_ =	shalt  }
0x57: {  	_ =	shalt  }
0x58: {  	_ =	shalt  }
0x59: {  	_ =	shalt  }
0x5a: {  	_ =	shalt  }
0x5b: {  	_ =	shalt  }
0x5c: {  	_ =	shalt  }
0x5d: {  	_ =	shalt  }
0x5e: {  	_ =	shalt  }
0x5f: {  	_ =	shalt  }
0x60: {  	_ =	shalt  }
0x61: {  	_ =	shalt  }
0x62: {  	_ =	shalt  }
0x63: {  	_ =	shalt  }
0x64: {  	_ =	shalt  }
0x65: {  	_ =	shalt  }
0x66: {  	_ =	shalt  }
0x67: {  	_ =	shalt  }
0x68: {  	_ =	shalt  }
0x69: {  	_ =	shalt  }
0x6a: {  	_ =	shalt  }
0x6b: {  	_ =	shalt  }
0x6c: {  	_ =	shalt  }
0x6d: {  	_ =	shalt  }
0x6e: {  	_ =	shalt  }
0x6f: {  	_ =	shalt  }
0x70: {  	_ =	shalt  }
0x71: {  	_ =	shalt  }
0x72: {  	_ =	shalt  }
0x73: {  	_ =	shalt  }
0x74: {  	_ =	shalt  }
0x75: {  	_ =	shalt  }
0x76: {  	_ =	shalt  }
0x77: {  	_ =	shalt  }
0x78: {  	_ =	shalt  }
0x79: {  	_ =	shalt  }
0x7a: {  	_ =	shalt  }
0x7b: {  	_ =	shalt  }
0x7c: {  	_ =	shalt  }
0x7d: {  	_ =	shalt  }
0x7e: {  	_ =	shalt  }
0x7f: {  	_ =	shalt  }
0x80: {  	_ =	shalt  }
0x81: {  	_ =	shalt  }
0x82: {  	_ =	shalt  }
0x83: {  	_ =	shalt  }
0x84: {  	_ =	shalt  }
0x85: {  	_ =	shalt  }
0x86: {  	_ =	shalt  }
0x87: {  	_ =	shalt  }
.Lfunc_end0:
.L_simem_size_0:
called_computation.1_lowered:
.L_overlay_start_0:
0x88: {  	s2 =	sld [smem:$0x3FD9]  }
0x89: {  	s3 =	sld [smem:$0x3FFE];
	_ =	sdelay $0x1  }
0x8a: {  	s1 =	srdreg.scid  }
0x8b: {  	s0 =	sand.u32 $0x1, s1  }
0x8c: {  	s16 =	sshll.u32 s0, $0xA;
	s2 =	sadd.s32 s3, s2  }
0x8d: {  	s2 =	sadd.s32 s2, s16  }
0x8e: {  	[smem:$0x3FBF] =	sst s2  }
0x8f: {  	_ = 	snop  }
0x90: {  	(tm) =	ssettm $0x1  }
0x91: {  	s17 =	sld [smem:$0x3FFB];
	_ =	sdelay $0x3  }
0x92: {  	_ =	strace s17  }
0x93: {  	s2 =	sld [smem:$0x3FFC];
	_ =	sdelay $0x3  }
0x94: {  	_ =	strace s2  }
0x95: {  	s2 =	sld [smem:$0x3FFD];
	_ =	sdelay $0x3  }
0x96: {  	_ =	strace s2  }
0x97: {  	_ =	strace $0x8FFFFFFF  }
0x98: {  	s18 =	sld [smem:$0x3FDB];
	_ =	sdelay $0x1  }
0x99: {  	s19 =	simm.s32 $_scs_section_size  }
0x9a: {  	s4 =	simm.s32 $_size__tile_overlayer_lowered;
	s5 =	simm.s32 $_tile_overlayer_lowered  }
0x9b: {  	s22 =	simm.s32 $0x1BFF;
	s21 =	sshll.u32 s5, $0x1;
	s2 =	sadd.s32 s19, s18  }
0x9c: {  	s6 =	simm.s32 $0x0;
	s20 =	sshll.u32 s4, $0x1;
	s4 =	sadd.s32 s21, s2  }
0x9d: {  	[timem:s6], [sflag:s22] =	dma.local [hbm:s4], s20  }
0x9e: {  	_ =	swait.ge [sflag:s22], s20  }
0x9f: {  	s3 =	ssub.s32 $0x0, s20;
	[sflag:s22] =	ssyncset.done $0x0  }
0xa0: {  	[sflag:s22] =	ssyncadd.s32 s3;
	_ =	sdelay $0x1  }
0xa1: {  	s23 =	simm.s32 $0x1B8B  }
0xa2: {  	_ =	swait.ge [sflag:s23], $0x1  }
0xa3: {  	[sflag:s23] =	ssyncset.done $0x0  }
0xa4: {  	s25 =	simm.s32 $0x1B8E;
	s24 =	sld [smem:$0x3FFE];
	[sflag:s23] =	ssyncadd.s32 $0xFFFFFFFF  }
0xa5: {  	s26 =	simm.s32 $execute0_lowered;
	[smem:$0x3FD2] =	sst s25  }
0xa6: {  	s4 =	sshll.u32 s26, $0x1;
	_ =	strace $0x80000049;
	[dreg:$0x1] =	wrdreg $0xFFFFFFFF  }
0xa7: {  	s28 =	simm.s32 $_size_execute0_lowered;
	s2 =	sadd.s32 s2, s4;
	[dreg:$0x0] =	wrdreg $0x0  }
0xa8: {  	s4 =	sshll.u32 s28, $0x1;
	[dreg:$0x2] =	wrdreg s2  }
0xa9: {  	[dreg:$0x3] =	wrdreg s4  }
0xaa: {  	[dreg:$0x4] =	wrdreg $0xC0  }
0xab: {  	_ =	task [dreg:s6], $0x5FFFF  }
0xac: {  	[dreg:$0x1] =	wrdreg $0xFFFFFFFF  }
0xad: {  	[dreg:$0x0] =	wrdreg $0x60  }
0xae: {  	[dreg:$0x2] =	wrdreg s24  }
0xaf: {  	[dreg:$0x3] =	wrdreg $0x130000  }
0xb0: {  	[dreg:$0x4] =	wrdreg $0x9  }
0xb1: {  	_ =	task.clear_ibuf [dreg:s6], $0x5FFFF;
	_ =	strace $0x90000049  }
0xb2: {  	s29 =	simm.s32 $0x9;
	_ =	strace $0x8000004B  }
0xb3: {  	_ =	swait.ge [sflag:s29], $0x1  }
0xb4: {  	[sflag:s29] =	ssyncadd.s32 $0xFFFFFFFF  }
0xb5: {  	_ =	strace $0x9000004B  }
0xb6: {  	_ =	sfence  }
0xb7: {  	s30 =	sld [smem:$0x0];
	_ =	sdelay $0x2  }
0xb8: {  	s31 =	sshll.u32 s1, $0xD;
	s1 =	sshrl.u32 s1, $0x2  }
0xb9: {  	s3 =	sand.u32 $0x4000, s31;
	s1 =	sadd.s32 s1, s30  }
0xba: {  	s0 =	sor.u32 s3, s0;
	s1 =	sshll.u32 s1, $0x11  }
0xbb: {  	s0 =	sor.u32 s1, s0  }
0xbc: {  	s0 =	sadd.s32 $0x8F2B, s0  }
0xbd: {  	[sflag:s0] =	ssyncadd.remote.s32 $0x1  }
0xbe: {  	_ =	sfence.sel $0xFFFF  }
0xbf: {  	[dreg:$0x0] =	wrdreg $0xFFFFFFFF;
	(pc) =	sbr.abs _section_cstart, $3  }
0xc0: {  	[dreg:$0x1] =	wrdreg $0xFFFFFFFF  }
0xc1: {  	_ =	task.clear_ibuf [dreg:s6], $0x2FFFF;
	_ =	strace $0x9FFFFFFF  }
0xc2: {  	(tm) =	ssettm $0x7FFFFFFF  }
0xc3: {  	_ =	shalt  }
tec
execute0_lowered:
.L_overlay_start_1:
0x0: {  	(tag) =	ssettag $0x1  }
0x1: {  	s0 =	rddreg [dreg:$0x0]  }
0x2: {  	s2 =	rddreg [dreg:$0x1]  }
0x3: {  	s16 =	rddreg [dreg:$0x2];
	s1 =	srdreg.scid  }
0x4: {  	s9 =	stileid.u32;
	s30 =	simm.s32 $0x0;
	s11 =	simm.s32 $0x180  }
0x5: {  	s12 =	simm.s32 $0x200;
	s13 =	simm.s32 $0x880;
	s14 =	simm.s32 $0x280  }
0x6: {  	s15 =	simm.s32 $0x900;
	s31 =	simm.s32 $0x800;
	[smem:$0x7FF] =	sst s30  }
0x7: {  	s17 =	simm.s32 $0x300;
	_ =	strace $0x8000004A;
	[dreg:$0x8] =	wrdreg s11  }
0x8: {  	s18 =	simm.s32 $0x980;
	s19 =	simm.s32 $0x380;
	[dreg:$0x9] =	wrdreg s12  }
0x9: {  	s20 =	simm.s32 $0xA00;
	s21 =	simm.s32 $0x400;
	[dreg:$0xa] =	wrdreg s13  }
0xa: {  	s22 =	simm.s32 $0xA80;
	s29 =	simm.s32 $0xC00;
	[dreg:$0xb] =	wrdreg s14  }
0xb: {  	s28 =	simm.s32 $0x600;
	p0 =	por $0x0, $0x0;
	[dreg:$0xc] =	wrdreg s15  }
0xc: {  	s1 =	sand.u32 $0x1, s1;
	s3 =	smul.u32 $0x1200, s9;
	[dreg:$0xd] =	wrdreg s17  }
0xd: {  	s4 =	sadd.s32 $0x600, s0;
	s6 =	sshll.u32 s9, $0x9;
	[dreg:$0xe] =	wrdreg s18  }
0xe: {  	s10 =	sshll.u32 s9, $0x6;
	s9 =	simm.s32 $0xA000;
	[dreg:$0xf] =	wrdreg s19  }
0xf: {  	s5 =	smul.u32 $0x12000, s1;
	s7 =	sshll.u32 s1, $0x8;
	[dreg:$0x10] =	wrdreg s20  }
0x10: {  	s1 =	ssub.s32 $0x2, s1;
	s11 =	simm.s32 $0x1000;
	[dreg:$0x11] =	wrdreg s21  }
0x11: {  	s15 =	simm.s32 $0x1;
	[dreg:$0x12] =	wrdreg s22;
	s14 =	simm.s32 $0x2  }
0x12: {  	s13 =	simm.s32 $0x3;
	s12 =	simm.s32 $0x4;
	s22 =	simm.s32 $0x580  }
0x13: {  	s21 =	simm.s32 $0x780;
	s20 =	simm.s32 $0xE00;
	s19 =	simm.s32 $0xE80  }
0x14: {  	s18 =	simm.s32 $0xF00;
	s17 =	simm.s32 $0xF80;
	s8 =	sshrl.u32 s3, $0x3  }
0x15: {  	s6 =	sor.u32 s7, s6;
	s26 =	sshrl.u32 s1, $0x1;
	s7 =	sadd.s32 s3, s2  }
0x16: {  	s5 =	sadd.s32 s3, s5;
	s23 =	sadd.s32 s8, s0;
	s6 =	sadd.s32 s6, s0  }
0x17: {  	s1 =	ssub.s32 s1, s26;
	s8 =	simm.s32 $0x100;
	s3 =	sor.u32 $0x1C05, s10  }
0x18: {  	s10 =	simm.s32 $0x5800;
	s26 =	simm.s32 $0xB80;
	s5 =	sshrl.u32 s5, $0x3  }
0x19: {  	s24 =	sadd.s32 $0x9400, s23;
	s25 =	sadd.s32 $0x5B600, s6;
	[dreg:$0x7] =	wrdreg s8  }
0x1a: {  	s6 =	sadd.s32 $0x5D600, s6;
	s1 =	smax.u32 s1, $0x1;
	[dreg:$0x16] =	wrdreg s26  }
0x1b: {  	s8 =	simm.s32 $0xE800;
	s23 =	simm.s32 $0x480;
	[dreg:$0x3] =	wrdreg s24  }
0x1c: {  	s26 =	simm.s32 $0xC80;
	s0 =	sadd.s32 s5, s0;
	[dreg:$0x4] =	wrdreg s25  }
0x1d: {  	[dreg:$0x5] =	wrdreg s6;
	s5 =	sshrl.u32 s7, $0x3;
	p1 =	sne.s32 s1, $0x1  }
.Ltmp0:
0x1e: {  	[dreg:$0x13] =	wrdreg s23;
	s24 =	simm.s32 $0xB00;
	(pc) =	sbr.rel @!p1 .LBB2_1-.Ltmp0, $4  }
0x1f: {  	s6 =	simm.s32 $0x5;
	s25 =	simm.s32 $0x500;
	[dreg:$0x14] =	wrdreg s24  }
0x20: {  	s7 =	simm.s32 $0x80;
	s0 =	sadd.s32 $0xB800, s0;
	[dreg:$0x15] =	wrdreg s25  }
0x21: {  	s23 =	simm.s32 $0xD80;
	s25 =	simm.s32 $0x680;
	[dreg:$0x6] =	wrdreg s0  }
0x22: {  	s24 =	simm.s32 $0xD00;
	s0 =	sadd.s32 $0xFFFFFFFF, s1;
	s1 =	rddreg [dreg:$0x3]  }
0x23: {  	[spmem:s5], [sflag:s3] =	dma.local [hbm:s1], $0x240  }
0x24: {  	_ =	swait.ge [sflag:s6], $0x240  }
0x25: {  	[sflag:s6] =	ssyncset.done $0x0  }
0x26: {  	s16 =	rddreg [dreg:$0x4];
	[sflag:s6] =	ssyncadd.s32 $0xFFFFFDC0  }
0x27: {  	[tilespmem:s30], [sflag:$0x5] =	stream.linear.gather [hbm4b:s16+s30], $0x800, $0x38;
	[tilespmem:$0x14200] =	vst v63  }
0x28: {  	_ =	swait.ge [sflag:s6], $0x800  }
0x29: {  	[sflag:s6] =	ssyncset.done $0x0  }
0x2a: {  	s16 =	rddreg [dreg:$0x5];
	[sflag:s6] =	ssyncadd.s32 $0xFFFFF800  }
0x2b: {  	[tilespmem:s31], [sflag:$0x5] =	stream.linear.gather [hbm4b:s16+s30], $0x800, $0x38;
	[tilespmem:$0x14200] =	vst v63  }
0x2c: {  	_ =	swait.ge [sflag:s6], $0x800  }
0x2d: {  	[sflag:s6] =	ssyncset.done $0x0  }
0x2e: {  	[sflag:s6] =	ssyncadd.s32 $0xFFFFF800  }
0x2f: {  	[bflag:$0x0] =	sbarrier.arrive $0xFFFF  }
0x30: {  	[tilespmem:s11], [sflag:$0x1] =	stream.indirect.gather [hbm4b:s4+s7], $0x90, s30, s7, $0xb8;
	[tilespmem:$0x14200] =	vst v63  }
0x31: {  	_ = 	snop  }
0x32: {  	[tilespmem:s10], [sflag:$0x2] =	stream.indirect.gather [hbm4b:s4+s7], $0x90, s7, s7, $0xb8;
	[tilespmem:$0x14200] =	vst v63  }
0x33: {  	s1 =	rddreg [dreg:$0x7]  }
0x34: {  	[tilespmem:s9], [sflag:$0x3] =	stream.indirect.gather [hbm4b:s4+s7], $0x90, s1, s7, $0xb8;
	[tilespmem:$0x14200] =	vst v63  }
0x35: {  	s16 =	smov.u32 s0;
	s0 =	rddreg [dreg:$0x8]  }
0x36: {  	[tilespmem:s8], [sflag:$0x4] =	stream.indirect.gather [hbm4b:s4+s7], $0x90, s0, s7, $0xb8;
	[tilespmem:$0x14200] =	vst v63  }
0x37: {  	_ =	swait.ge [sflag:s15], $0x4800  }
0x38: {  	[sflag:s15] =	ssyncset.done $0x0  }
0x39: {  	[sflag:s15] =	ssyncadd.s32 $0xFFFFB800  }
0x3a: {  	[spmem:s2] =	stream.indirect.scatter.add.f32 [tilespmem:s11], [sflag:$0x5], $0x90, s31, s7, $0xb8;
	[tilespmem:$0x14200] =	vst v63  }
0x3b: {  	_ =	swait.ge [sflag:s6], $0x4800  }
0x3c: {  	[sflag:s6] =	ssyncset.done $0x0  }
0x3d: {  	s1 =	rddreg [dreg:$0x9];
	[sflag:s6] =	ssyncadd.s32 $0xFFFFB800  }
0x3e: {  	[tilespmem:s11], [sflag:$0x1] =	stream.indirect.gather [hbm4b:s4+s7], $0x90, s1, s7, $0xb8;
	[tilespmem:$0x14200] =	vst v63  }
0x3f: {  	_ =	swait.ge [sflag:s14], $0x4800  }
0x40: {  	[sflag:s14] =	ssyncset.done $0x0  }
0x41: {  	s1 =	rddreg [dreg:$0xa];
	[sflag:s14] =	ssyncadd.s32 $0xFFFFB800  }
0x42: {  	[spmem:s2] =	stream.indirect.scatter.add.f32 [tilespmem:s10], [sflag:$0x5], $0x90, s1, s7, $0xb8;
	[tilespmem:$0x14200] =	vst v63  }
0x43: {  	_ =	swait.ge [sflag:s6], $0x4800  }
0x44: {  	[sflag:s6] =	ssyncset.done $0x0  }
0x45: {  	s1 =	rddreg [dreg:$0xb];
	[sflag:s6] =	ssyncadd.s32 $0xFFFFB800  }
0x46: {  	[tilespmem:s10], [sflag:$0x2] =	stream.indirect.gather [hbm4b:s4+s7], $0x90, s1, s7, $0xb8;
	[tilespmem:$0x14200] =	vst v63  }
0x47: {  	_ =	swait.ge [sflag:s13], $0x4800  }
0x48: {  	[sflag:s13] =	ssyncset.done $0x0  }
0x49: {  	s1 =	rddreg [dreg:$0xc];
	[sflag:s13] =	ssyncadd.s32 $0xFFFFB800  }
0x4a: {  	[spmem:s2] =	stream.indirect.scatter.add.f32 [tilespmem:s9], [sflag:$0x5], $0x90, s1, s7, $0xb8;
	[tilespmem:$0x14200] =	vst v63  }
0x4b: {  	_ =	swait.ge [sflag:s6], $0x4800  }
0x4c: {  	[sflag:s6] =	ssyncset.done $0x0  }
0x4d: {  	s1 =	rddreg [dreg:$0xd];
	[sflag:s6] =	ssyncadd.s32 $0xFFFFB800  }
0x4e: {  	[tilespmem:s9], [sflag:$0x3] =	stream.indirect.gather [hbm4b:s4+s7], $0x90, s1, s7, $0xb8;
	[tilespmem:$0x14200] =	vst v63  }
0x4f: {  	_ =	swait.ge [sflag:s12], $0x4800  }
0x50: {  	[sflag:s12] =	ssyncset.done $0x0  }
0x51: {  	s1 =	rddreg [dreg:$0xe];
	[sflag:s12] =	ssyncadd.s32 $0xFFFFB800  }
0x52: {  	[spmem:s2] =	stream.indirect.scatter.add.f32 [tilespmem:s8], [sflag:$0x5], $0x90, s1, s7, $0xb8;
	[tilespmem:$0x14200] =	vst v63  }
0x53: {  	_ =	swait.ge [sflag:s6], $0x4800  }
0x54: {  	[sflag:s6] =	ssyncset.done $0x0  }
0x55: {  	s1 =	rddreg [dreg:$0xf];
	[sflag:s6] =	ssyncadd.s32 $0xFFFFB800  }
0x56: {  	[tilespmem:s8], [sflag:$0x4] =	stream.indirect.gather [hbm4b:s4+s7], $0x90, s1, s7, $0xb8;
	[tilespmem:$0x14200] =	vst v63  }
0x57: {  	_ =	swait.ge [sflag:s15], $0x4800  }
0x58: {  	[sflag:s15] =	ssyncset.done $0x0  }
0x59: {  	s1 =	rddreg [dreg:$0x10];
	[sflag:s15] =	ssyncadd.s32 $0xFFFFB800  }
0x5a: {  	[spmem:s2] =	stream.indirect.scatter.add.f32 [tilespmem:s11], [sflag:$0x5], $0x90, s1, s7, $0xb8;
	[tilespmem:$0x14200] =	vst v63  }
0x5b: {  	_ =	swait.ge [sflag:s6], $0x4800  }
0x5c: {  	[sflag:s6] =	ssyncset.done $0x0  }
0x5d: {  	s1 =	rddreg [dreg:$0x11];
	[sflag:s6] =	ssyncadd.s32 $0xFFFFB800  }
0x5e: {  	[tilespmem:s11], [sflag:$0x1] =	stream.indirect.gather [hbm4b:s4+s7], $0x90, s1, s7, $0xb8;
	[tilespmem:$0x14200] =	vst v63  }
0x5f: {  	_ =	swait.ge [sflag:s14], $0x4800  }
0x60: {  	[sflag:s14] =	ssyncset.done $0x0  }
0x61: {  	s1 =	rddreg [dreg:$0x12];
	[sflag:s14] =	ssyncadd.s32 $0xFFFFB800  }
0x62: {  	[spmem:s2] =	stream.indirect.scatter.add.f32 [tilespmem:s10], [sflag:$0x5], $0x90, s1, s7, $0xb8;
	[tilespmem:$0x14200] =	vst v63  }
0x63: {  	_ =	swait.ge [sflag:s6], $0x4800  }
0x64: {  	[sflag:s6] =	ssyncset.done $0x0  }
0x65: {  	s1 =	rddreg [dreg:$0x13];
	[sflag:s6] =	ssyncadd.s32 $0xFFFFB800  }
0x66: {  	[tilespmem:s10], [sflag:$0x2] =	stream.indirect.gather [hbm4b:s4+s7], $0x90, s1, s7, $0xb8;
	[tilespmem:$0x14200] =	vst v63  }
0x67: {  	_ =	swait.ge [sflag:s13], $0x4800  }
0x68: {  	[sflag:s13] =	ssyncset.done $0x0  }
0x69: {  	s1 =	rddreg [dreg:$0x14];
	[sflag:s13] =	ssyncadd.s32 $0xFFFFB800  }
0x6a: {  	[spmem:s2] =	stream.indirect.scatter.add.f32 [tilespmem:s9], [sflag:$0x5], $0x90, s1, s7, $0xb8;
	[tilespmem:$0x14200] =	vst v63  }
0x6b: {  	_ =	swait.ge [sflag:s6], $0x4800  }
0x6c: {  	[sflag:s6] =	ssyncset.done $0x0  }
0x6d: {  	s1 =	rddreg [dreg:$0x15];
	[sflag:s6] =	ssyncadd.s32 $0xFFFFB800  }
0x6e: {  	[tilespmem:s9], [sflag:$0x3] =	stream.indirect.gather [hbm4b:s4+s7], $0x90, s1, s7, $0xb8;
	[tilespmem:$0x14200] =	vst v63  }
0x6f: {  	_ =	swait.ge [sflag:s12], $0x4800  }
0x70: {  	[sflag:s12] =	ssyncset.done $0x0  }
0x71: {  	s1 =	rddreg [dreg:$0x16];
	[sflag:s12] =	ssyncadd.s32 $0xFFFFB800  }
0x72: {  	[spmem:s2] =	stream.indirect.scatter.add.f32 [tilespmem:s8], [sflag:$0x5], $0x90, s1, s7, $0xb8;
	[tilespmem:$0x14200] =	vst v63  }
0x73: {  	_ =	swait.ge [sflag:s6], $0x4800  }
0x74: {  	[sflag:s6] =	ssyncset.done $0x0  }
0x75: {  	[sflag:s6] =	ssyncadd.s32 $0xFFFFB800  }
0x76: {  	[tilespmem:s8], [sflag:$0x4] =	stream.indirect.gather [hbm4b:s4+s7], $0x90, s22, s7, $0xb8;
	[tilespmem:$0x14200] =	vst v63  }
0x77: {  	_ =	swait.ge [sflag:s15], $0x4800  }
0x78: {  	[sflag:s15] =	ssyncset.done $0x0  }
0x79: {  	[sflag:s15] =	ssyncadd.s32 $0xFFFFB800  }
0x7a: {  	[spmem:s2] =	stream.indirect.scatter.add.f32 [tilespmem:s11], [sflag:$0x5], $0x90, s29, s7, $0xb8;
	[tilespmem:$0x14200] =	vst v63  }
0x7b: {  	_ =	swait.ge [sflag:s6], $0x4800  }
0x7c: {  	[sflag:s6] =	ssyncset.done $0x0  }
0x7d: {  	[sflag:s6] =	ssyncadd.s32 $0xFFFFB800  }
0x7e: {  	[tilespmem:s11], [sflag:$0x1] =	stream.indirect.gather [hbm4b:s4+s7], $0x90, s28, s7, $0xb8;
	[tilespmem:$0x14200] =	vst v63  }
0x7f: {  	_ =	swait.ge [sflag:s14], $0x4800  }
0x80: {  	[sflag:s14] =	ssyncset.done $0x0  }
0x81: {  	[sflag:s14] =	ssyncadd.s32 $0xFFFFB800  }
0x82: {  	[spmem:s2] =	stream.indirect.scatter.add.f32 [tilespmem:s10], [sflag:$0x5], $0x90, s26, s7, $0xb8;
	[tilespmem:$0x14200] =	vst v63  }
0x83: {  	_ =	swait.ge [sflag:s6], $0x4800  }
0x84: {  	[sflag:s6] =	ssyncset.done $0x0  }
0x85: {  	[sflag:s6] =	ssyncadd.s32 $0xFFFFB800  }
0x86: {  	[tilespmem:s10], [sflag:$0x2] =	stream.indirect.gather [hbm4b:s4+s7], $0x90, s25, s7, $0xb8;
	[tilespmem:$0x14200] =	vst v63  }
0x87: {  	_ =	swait.ge [sflag:s13], $0x4800  }
0x88: {  	[sflag:s13] =	ssyncset.done $0x0  }
0x89: {  	[sflag:s13] =	ssyncadd.s32 $0xFFFFB800  }
0x8a: {  	[spmem:s2] =	stream.indirect.scatter.add.f32 [tilespmem:s9], [sflag:$0x5], $0x90, s24, s7, $0xb8;
	[tilespmem:$0x14200] =	vst v63  }
0x8b: {  	_ =	swait.ge [sflag:s6], $0x4800  }
0x8c: {  	[sflag:s6] =	ssyncset.done $0x0  }
0x8d: {  	s1 =	simm.s32 $0x700;
	[sflag:s6] =	ssyncadd.s32 $0xFFFFB800  }
0x8e: {  	[tilespmem:s9], [sflag:$0x3] =	stream.indirect.gather [hbm4b:s4+s7], $0x90, s1, s7, $0xb8;
	[tilespmem:$0x14200] =	vst v63  }
0x8f: {  	_ =	swait.ge [sflag:s12], $0x4800  }
0x90: {  	[sflag:s12] =	ssyncset.done $0x0  }
0x91: {  	[sflag:s12] =	ssyncadd.s32 $0xFFFFB800  }
0x92: {  	[spmem:s2] =	stream.indirect.scatter.add.f32 [tilespmem:s8], [sflag:$0x5], $0x90, s23, s7, $0xb8;
	[tilespmem:$0x14200] =	vst v63  }
0x93: {  	_ =	swait.ge [sflag:s6], $0x4800  }
0x94: {  	[sflag:s6] =	ssyncset.done $0x0  }
0x95: {  	[sflag:s6] =	ssyncadd.s32 $0xFFFFB800  }
0x96: {  	[tilespmem:s8], [sflag:$0x4] =	stream.indirect.gather [hbm4b:s4+s7], $0x90, s21, s7, $0xb8;
	[tilespmem:$0x14200] =	vst v63  }
0x97: {  	_ =	swait.ge [sflag:s15], $0x4800  }
0x98: {  	[sflag:s15] =	ssyncset.done $0x0  }
0x99: {  	[sflag:s15] =	ssyncadd.s32 $0xFFFFB800  }
0x9a: {  	[spmem:s2] =	stream.indirect.scatter.add.f32 [tilespmem:s11], [sflag:$0x5], $0x90, s20, s7, $0xb8;
	[tilespmem:$0x14200] =	vst v63  }
0x9b: {  	_ =	swait.ge [sflag:s6], $0x4800  }
0x9c: {  	[sflag:s6] =	ssyncset.done $0x0  }
0x9d: {  	[sflag:s6] =	ssyncadd.s32 $0xFFFFB800  }
0x9e: {  	_ =	swait.ge [sflag:s14], $0x4800  }
0x9f: {  	[sflag:s14] =	ssyncset.done $0x0  }
0xa0: {  	[sflag:s14] =	ssyncadd.s32 $0xFFFFB800  }
0xa1: {  	[spmem:s2] =	stream.indirect.scatter.add.f32 [tilespmem:s10], [sflag:$0x5], $0x90, s19, s7, $0xb8;
	[tilespmem:$0x14200] =	vst v63  }
0xa2: {  	_ =	swait.ge [sflag:s6], $0x4800  }
0xa3: {  	[sflag:s6] =	ssyncset.done $0x0  }
0xa4: {  	[sflag:s6] =	ssyncadd.s32 $0xFFFFB800  }
0xa5: {  	_ =	swait.ge [sflag:s13], $0x4800  }
0xa6: {  	[sflag:s13] =	ssyncset.done $0x0  }
0xa7: {  	[sflag:s13] =	ssyncadd.s32 $0xFFFFB800  }
0xa8: {  	[spmem:s2] =	stream.indirect.scatter.add.f32 [tilespmem:s9], [sflag:$0x5], $0x90, s18, s7, $0xb8;
	[tilespmem:$0x14200] =	vst v63  }
0xa9: {  	_ =	swait.ge [sflag:s6], $0x4800  }
0xaa: {  	[sflag:s6] =	ssyncset.done $0x0  }
0xab: {  	[sflag:s6] =	ssyncadd.s32 $0xFFFFB800  }
0xac: {  	_ =	swait.ge [sflag:s12], $0x4800  }
0xad: {  	[sflag:s12] =	ssyncset.done $0x0  }
0xae: {  	[sflag:s12] =	ssyncadd.s32 $0xFFFFB800  }
0xaf: {  	[spmem:s2] =	stream.indirect.scatter.add.f32 [tilespmem:s8], [sflag:$0x5], $0x90, s17, s7, $0xb8;
	[tilespmem:$0x14200] =	vst v63  }
0xb0: {  	_ =	swait.ge [sflag:s6], $0x4800  }
0xb1: {  	[sflag:s6] =	ssyncset.done $0x0  }
0xb2: {  	p1 =	sne.s32 s16, $0x1;
	[sflag:s6] =	ssyncadd.s32 $0xFFFFB800  }
.Ltmp1:
0xb3: {  	[bflag:$0x0] =	sbarrier.arrive $0xFFFF;
	(pc) =	sbr.rel @!p1 .LBB2_3-.Ltmp1, $4  }
0xb4: {  	s1 =	rddreg [dreg:$0x6]  }
0xb5: {  	[hbm:s1], [sflag:s3] =	dma.local [spmem:s5], $0x240  }
0xb6: {  	p0 =	por $0x1, $0x1;
	_ =	swait.ge [sflag:s6], $0x240  }
0xb7: {  	s0 =	sadd.s32 $0xFFFFFFFF, s16;
	s1 =	rddreg [dreg:$0x3];
	[sflag:s6] =	ssyncset.done $0x0  }
.LBB2_4:
0xb8: {  	[sflag:s6] =	ssyncadd.s32 $0xFFFFFDC0  }
0xb9: {  	[spmem:s5], [sflag:s3] =	dma.local [hbm:s1], $0x240  }
0xba: {  	_ =	swait.ge [sflag:s6], $0x240  }
0xbb: {  	[sflag:s6] =	ssyncset.done $0x0  }
0xbc: {  	s16 =	rddreg [dreg:$0x4];
	[sflag:s6] =	ssyncadd.s32 $0xFFFFFDC0  }
0xbd: {  	[tilespmem:s30], [sflag:$0x5] =	stream.linear.gather [hbm4b:s16+s30], $0x800, $0x38;
	[tilespmem:$0x14200] =	vst v63  }
0xbe: {  	_ =	swait.ge [sflag:s6], $0x800  }
0xbf: {  	[sflag:s6] =	ssyncset.done $0x0  }
0xc0: {  	s16 =	rddreg [dreg:$0x5];
	[sflag:s6] =	ssyncadd.s32 $0xFFFFF800  }
0xc1: {  	[tilespmem:s31], [sflag:$0x5] =	stream.linear.gather [hbm4b:s16+s30], $0x800, $0x38;
	[tilespmem:$0x14200] =	vst v63  }
0xc2: {  	_ =	swait.ge [sflag:s6], $0x800  }
0xc3: {  	[sflag:s6] =	ssyncset.done $0x0  }
0xc4: {  	[sflag:s6] =	ssyncadd.s32 $0xFFFFF800  }
0xc5: {  	[bflag:$0x0] =	sbarrier.arrive $0xFFFF  }
0xc6: {  	[tilespmem:s11], [sflag:$0x1] =	stream.indirect.gather [hbm4b:s4+s7], $0x90, s30, s7, $0xb8;
	[tilespmem:$0x14200] =	vst v63  }
0xc7: {  	_ = 	snop  }
0xc8: {  	[tilespmem:s10], [sflag:$0x2] =	stream.indirect.gather [hbm4b:s4+s7], $0x90, s7, s7, $0xb8;
	[tilespmem:$0x14200] =	vst v63  }
0xc9: {  	s1 =	rddreg [dreg:$0x7]  }
0xca: {  	[tilespmem:s9], [sflag:$0x3] =	stream.indirect.gather [hbm4b:s4+s7], $0x90, s1, s7, $0xb8;
	[tilespmem:$0x14200] =	vst v63  }
0xcb: {  	s16 =	rddreg [dreg:$0x8]  }
0xcc: {  	[tilespmem:s8], [sflag:$0x4] =	stream.indirect.gather [hbm4b:s4+s7], $0x90, s16, s7, $0xb8;
	[tilespmem:$0x14200] =	vst v63  }
0xcd: {  	_ =	swait.ge [sflag:s15], $0x4800  }
0xce: {  	[sflag:s15] =	ssyncset.done $0x0  }
0xcf: {  	[sflag:s15] =	ssyncadd.s32 $0xFFFFB800  }
0xd0: {  	[spmem:s2] =	stream.indirect.scatter.add.f32 [tilespmem:s11], [sflag:$0x5], $0x90, s31, s7, $0xb8;
	[tilespmem:$0x14200] =	vst v63  }
0xd1: {  	_ =	swait.ge [sflag:s6], $0x4800  }
0xd2: {  	[sflag:s6] =	ssyncset.done $0x0  }
0xd3: {  	s16 =	rddreg [dreg:$0x9];
	[sflag:s6] =	ssyncadd.s32 $0xFFFFB800  }
0xd4: {  	[tilespmem:s11], [sflag:$0x1] =	stream.indirect.gather [hbm4b:s4+s7], $0x90, s16, s7, $0xb8;
	[tilespmem:$0x14200] =	vst v63  }
0xd5: {  	_ =	swait.ge [sflag:s14], $0x4800  }
0xd6: {  	[sflag:s14] =	ssyncset.done $0x0  }
0xd7: {  	s16 =	rddreg [dreg:$0xa];
	[sflag:s14] =	ssyncadd.s32 $0xFFFFB800  }
0xd8: {  	[spmem:s2] =	stream.indirect.scatter.add.f32 [tilespmem:s10], [sflag:$0x5], $0x90, s16, s7, $0xb8;
	[tilespmem:$0x14200] =	vst v63  }
0xd9: {  	_ =	swait.ge [sflag:s6], $0x4800  }
0xda: {  	[sflag:s6] =	ssyncset.done $0x0  }
0xdb: {  	s16 =	rddreg [dreg:$0xb];
	[sflag:s6] =	ssyncadd.s32 $0xFFFFB800  }
0xdc: {  	[tilespmem:s10], [sflag:$0x2] =	stream.indirect.gather [hbm4b:s4+s7], $0x90, s16, s7, $0xb8;
	[tilespmem:$0x14200] =	vst v63  }
0xdd: {  	_ =	swait.ge [sflag:s13], $0x4800  }
0xde: {  	[sflag:s13] =	ssyncset.done $0x0  }
0xdf: {  	s16 =	rddreg [dreg:$0xc];
	[sflag:s13] =	ssyncadd.s32 $0xFFFFB800  }
0xe0: {  	[spmem:s2] =	stream.indirect.scatter.add.f32 [tilespmem:s9], [sflag:$0x5], $0x90, s16, s7, $0xb8;
	[tilespmem:$0x14200] =	vst v63  }
0xe1: {  	_ =	swait.ge [sflag:s6], $0x4800  }
0xe2: {  	[sflag:s6] =	ssyncset.done $0x0  }
0xe3: {  	s16 =	rddreg [dreg:$0xd];
	[sflag:s6] =	ssyncadd.s32 $0xFFFFB800  }
0xe4: {  	[tilespmem:s9], [sflag:$0x3] =	stream.indirect.gather [hbm4b:s4+s7], $0x90, s16, s7, $0xb8;
	[tilespmem:$0x14200] =	vst v63  }
0xe5: {  	_ =	swait.ge [sflag:s12], $0x4800  }
0xe6: {  	[sflag:s12] =	ssyncset.done $0x0  }
0xe7: {  	s16 =	rddreg [dreg:$0xe];
	[sflag:s12] =	ssyncadd.s32 $0xFFFFB800  }
0xe8: {  	[spmem:s2] =	stream.indirect.scatter.add.f32 [tilespmem:s8], [sflag:$0x5], $0x90, s16, s7, $0xb8;
	[tilespmem:$0x14200] =	vst v63  }
0xe9: {  	_ =	swait.ge [sflag:s6], $0x4800  }
0xea: {  	[sflag:s6] =	ssyncset.done $0x0  }
0xeb: {  	s16 =	rddreg [dreg:$0xf];
	[sflag:s6] =	ssyncadd.s32 $0xFFFFB800  }
0xec: {  	[tilespmem:s8], [sflag:$0x4] =	stream.indirect.gather [hbm4b:s4+s7], $0x90, s16, s7, $0xb8;
	[tilespmem:$0x14200] =	vst v63  }
0xed: {  	_ =	swait.ge [sflag:s15], $0x4800  }
0xee: {  	[sflag:s15] =	ssyncset.done $0x0  }
0xef: {  	s16 =	rddreg [dreg:$0x10];
	[sflag:s15] =	ssyncadd.s32 $0xFFFFB800  }
0xf0: {  	[spmem:s2] =	stream.indirect.scatter.add.f32 [tilespmem:s11], [sflag:$0x5], $0x90, s16, s7, $0xb8;
	[tilespmem:$0x14200] =	vst v63  }
0xf1: {  	_ =	swait.ge [sflag:s6], $0x4800  }
0xf2: {  	[sflag:s6] =	ssyncset.done $0x0  }
0xf3: {  	s16 =	rddreg [dreg:$0x11];
	[sflag:s6] =	ssyncadd.s32 $0xFFFFB800  }
0xf4: {  	[tilespmem:s11], [sflag:$0x1] =	stream.indirect.gather [hbm4b:s4+s7], $0x90, s16, s7, $0xb8;
	[tilespmem:$0x14200] =	vst v63  }
0xf5: {  	_ =	swait.ge [sflag:s14], $0x4800  }
0xf6: {  	[sflag:s14] =	ssyncset.done $0x0  }
0xf7: {  	s16 =	rddreg [dreg:$0x12];
	[sflag:s14] =	ssyncadd.s32 $0xFFFFB800  }
0xf8: {  	[spmem:s2] =	stream.indirect.scatter.add.f32 [tilespmem:s10], [sflag:$0x5], $0x90, s16, s7, $0xb8;
	[tilespmem:$0x14200] =	vst v63  }
0xf9: {  	_ =	swait.ge [sflag:s6], $0x4800  }
0xfa: {  	[sflag:s6] =	ssyncset.done $0x0  }
0xfb: {  	s16 =	rddreg [dreg:$0x13];
	[sflag:s6] =	ssyncadd.s32 $0xFFFFB800  }
0xfc: {  	[tilespmem:s10], [sflag:$0x2] =	stream.indirect.gather [hbm4b:s4+s7], $0x90, s16, s7, $0xb8;
	[tilespmem:$0x14200] =	vst v63  }
0xfd: {  	_ =	swait.ge [sflag:s13], $0x4800  }
0xfe: {  	[sflag:s13] =	ssyncset.done $0x0  }
0xff: {  	s16 =	rddreg [dreg:$0x14];
	[sflag:s13] =	ssyncadd.s32 $0xFFFFB800  }
0x100: {  	[spmem:s2] =	stream.indirect.scatter.add.f32 [tilespmem:s9], [sflag:$0x5], $0x90, s16, s7, $0xb8;
	[tilespmem:$0x14200] =	vst v63  }
0x101: {  	_ =	swait.ge [sflag:s6], $0x4800  }
0x102: {  	[sflag:s6] =	ssyncset.done $0x0  }
0x103: {  	s16 =	rddreg [dreg:$0x15];
	[sflag:s6] =	ssyncadd.s32 $0xFFFFB800  }
0x104: {  	[tilespmem:s9], [sflag:$0x3] =	stream.indirect.gather [hbm4b:s4+s7], $0x90, s16, s7, $0xb8;
	[tilespmem:$0x14200] =	vst v63  }
0x105: {  	_ =	swait.ge [sflag:s12], $0x4800  }
0x106: {  	[sflag:s12] =	ssyncset.done $0x0  }
0x107: {  	s16 =	rddreg [dreg:$0x16];
	[sflag:s12] =	ssyncadd.s32 $0xFFFFB800  }
0x108: {  	[spmem:s2] =	stream.indirect.scatter.add.f32 [tilespmem:s8], [sflag:$0x5], $0x90, s16, s7, $0xb8;
	[tilespmem:$0x14200] =	vst v63  }
0x109: {  	_ =	swait.ge [sflag:s6], $0x4800  }
0x10a: {  	[sflag:s6] =	ssyncset.done $0x0  }
0x10b: {  	[sflag:s6] =	ssyncadd.s32 $0xFFFFB800  }
0x10c: {  	[tilespmem:s8], [sflag:$0x4] =	stream.indirect.gather [hbm4b:s4+s7], $0x90, s22, s7, $0xb8;
	[tilespmem:$0x14200] =	vst v63  }
0x10d: {  	_ =	swait.ge [sflag:s15], $0x4800  }
0x10e: {  	[sflag:s15] =	ssyncset.done $0x0  }
0x10f: {  	[sflag:s15] =	ssyncadd.s32 $0xFFFFB800  }
0x110: {  	[spmem:s2] =	stream.indirect.scatter.add.f32 [tilespmem:s11], [sflag:$0x5], $0x90, s29, s7, $0xb8;
	[tilespmem:$0x14200] =	vst v63  }
0x111: {  	_ =	swait.ge [sflag:s6], $0x4800  }
0x112: {  	[sflag:s6] =	ssyncset.done $0x0  }
0x113: {  	[sflag:s6] =	ssyncadd.s32 $0xFFFFB800  }
0x114: {  	[tilespmem:s11], [sflag:$0x1] =	stream.indirect.gather [hbm4b:s4+s7], $0x90, s28, s7, $0xb8;
	[tilespmem:$0x14200] =	vst v63  }
0x115: {  	_ =	swait.ge [sflag:s14], $0x4800  }
0x116: {  	[sflag:s14] =	ssyncset.done $0x0  }
0x117: {  	[sflag:s14] =	ssyncadd.s32 $0xFFFFB800  }
0x118: {  	[spmem:s2] =	stream.indirect.scatter.add.f32 [tilespmem:s10], [sflag:$0x5], $0x90, s26, s7, $0xb8;
	[tilespmem:$0x14200] =	vst v63  }
0x119: {  	_ =	swait.ge [sflag:s6], $0x4800  }
0x11a: {  	[sflag:s6] =	ssyncset.done $0x0  }
0x11b: {  	[sflag:s6] =	ssyncadd.s32 $0xFFFFB800  }
0x11c: {  	[tilespmem:s10], [sflag:$0x2] =	stream.indirect.gather [hbm4b:s4+s7], $0x90, s25, s7, $0xb8;
	[tilespmem:$0x14200] =	vst v63  }
0x11d: {  	_ =	swait.ge [sflag:s13], $0x4800  }
0x11e: {  	[sflag:s13] =	ssyncset.done $0x0  }
0x11f: {  	[sflag:s13] =	ssyncadd.s32 $0xFFFFB800  }
0x120: {  	[spmem:s2] =	stream.indirect.scatter.add.f32 [tilespmem:s9], [sflag:$0x5], $0x90, s24, s7, $0xb8;
	[tilespmem:$0x14200] =	vst v63  }
0x121: {  	_ =	swait.ge [sflag:s6], $0x4800  }
0x122: {  	[sflag:s6] =	ssyncset.done $0x0  }
0x123: {  	s16 =	simm.s32 $0x700;
	[sflag:s6] =	ssyncadd.s32 $0xFFFFB800  }
0x124: {  	[tilespmem:s9], [sflag:$0x3] =	stream.indirect.gather [hbm4b:s4+s7], $0x90, s16, s7, $0xb8;
	[tilespmem:$0x14200] =	vst v63  }
0x125: {  	_ =	swait.ge [sflag:s12], $0x4800  }
0x126: {  	[sflag:s12] =	ssyncset.done $0x0  }
0x127: {  	[sflag:s12] =	ssyncadd.s32 $0xFFFFB800  }
0x128: {  	[spmem:s2] =	stream.indirect.scatter.add.f32 [tilespmem:s8], [sflag:$0x5], $0x90, s23, s7, $0xb8;
	[tilespmem:$0x14200] =	vst v63  }
0x129: {  	_ =	swait.ge [sflag:s6], $0x4800  }
0x12a: {  	[sflag:s6] =	ssyncset.done $0x0  }
0x12b: {  	[sflag:s6] =	ssyncadd.s32 $0xFFFFB800  }
0x12c: {  	[tilespmem:s8], [sflag:$0x4] =	stream.indirect.gather [hbm4b:s4+s7], $0x90, s21, s7, $0xb8;
	[tilespmem:$0x14200] =	vst v63  }
0x12d: {  	_ =	swait.ge [sflag:s15], $0x4800  }
0x12e: {  	[sflag:s15] =	ssyncset.done $0x0  }
0x12f: {  	[sflag:s15] =	ssyncadd.s32 $0xFFFFB800  }
0x130: {  	[spmem:s2] =	stream.indirect.scatter.add.f32 [tilespmem:s11], [sflag:$0x5], $0x90, s20, s7, $0xb8;
	[tilespmem:$0x14200] =	vst v63  }
0x131: {  	_ =	swait.ge [sflag:s6], $0x4800  }
0x132: {  	[sflag:s6] =	ssyncset.done $0x0  }
0x133: {  	[sflag:s6] =	ssyncadd.s32 $0xFFFFB800  }
0x134: {  	_ =	swait.ge [sflag:s14], $0x4800  }
0x135: {  	[sflag:s14] =	ssyncset.done $0x0  }
0x136: {  	[sflag:s14] =	ssyncadd.s32 $0xFFFFB800  }
0x137: {  	[spmem:s2] =	stream.indirect.scatter.add.f32 [tilespmem:s10], [sflag:$0x5], $0x90, s19, s7, $0xb8;
	[tilespmem:$0x14200] =	vst v63  }
0x138: {  	_ =	swait.ge [sflag:s6], $0x4800  }
0x139: {  	[sflag:s6] =	ssyncset.done $0x0  }
0x13a: {  	[sflag:s6] =	ssyncadd.s32 $0xFFFFB800  }
0x13b: {  	_ =	swait.ge [sflag:s13], $0x4800  }
0x13c: {  	[sflag:s13] =	ssyncset.done $0x0  }
0x13d: {  	[sflag:s13] =	ssyncadd.s32 $0xFFFFB800  }
0x13e: {  	[spmem:s2] =	stream.indirect.scatter.add.f32 [tilespmem:s9], [sflag:$0x5], $0x90, s18, s7, $0xb8;
	[tilespmem:$0x14200] =	vst v63  }
0x13f: {  	_ =	swait.ge [sflag:s6], $0x4800  }
0x140: {  	[sflag:s6] =	ssyncset.done $0x0  }
0x141: {  	[sflag:s6] =	ssyncadd.s32 $0xFFFFB800  }
0x142: {  	_ =	swait.ge [sflag:s12], $0x4800  }
0x143: {  	[sflag:s12] =	ssyncset.done $0x0  }
0x144: {  	[sflag:s12] =	ssyncadd.s32 $0xFFFFB800  }
0x145: {  	[spmem:s2] =	stream.indirect.scatter.add.f32 [tilespmem:s8], [sflag:$0x5], $0x90, s17, s7, $0xb8;
	[tilespmem:$0x14200] =	vst v63  }
0x146: {  	_ =	swait.ge [sflag:s6], $0x4800  }
0x147: {  	[sflag:s6] =	ssyncset.done $0x0  }
0x148: {  	p1 =	sne.s32 s0, $0x1;
	[sflag:s6] =	ssyncadd.s32 $0xFFFFB800  }
.Ltmp2:
0x149: {  	[bflag:$0x0] =	sbarrier.arrive $0xFFFF;
	(pc) =	sbr.rel @p1 .LBB2_4-.Ltmp2, $4  }
0x14a: {  	s16 =	rddreg [dreg:$0x6]  }
0x14b: {  	[hbm:s16], [sflag:s3] =	dma.local [spmem:s5], $0x240  }
0x14c: {  	_ =	swait.ge [sflag:s6], $0x240  }
0x14d: {  	s0 =	sadd.s32 $0xFFFFFFFF, s0;
	s1 =	rddreg [dreg:$0x3];
	[sflag:s6] =	ssyncset.done $0x0  }
0x14e: {  	s17 =	simm.s32 $0x580  }
0x14f: {  	s29 =	simm.s32 $0xC00;
	s28 =	simm.s32 $0x600;
	s26 =	simm.s32 $0xC80  }
0x150: {  	s25 =	simm.s32 $0x680;
	s24 =	simm.s32 $0xD00;
	s23 =	simm.s32 $0xD80  }
0x151: {  	s22 =	simm.s32 $0x700;
	s21 =	simm.s32 $0x780;
	s20 =	simm.s32 $0xE00  }
0x152: {  	s19 =	simm.s32 $0xE80;
	s18 =	simm.s32 $0xF00;
	s16 =	rddreg [dreg:$0x2]  }
.LBB2_6:
0x153: {  	[sflag:s6] =	ssyncadd.s32 @p0 $0xFFFFFDC0  }
0x154: {  	[spmem:s5], [sflag:s3] =	dma.local [hbm:s1], $0x240  }
0x155: {  	_ =	swait.ge [sflag:s6], $0x240  }
0x156: {  	[sflag:s6] =	ssyncset.done $0x0  }
0x157: {  	s0 =	rddreg [dreg:$0x4];
	[sflag:s6] =	ssyncadd.s32 $0xFFFFFDC0  }
0x158: {  	[tilespmem:s30], [sflag:$0x5] =	stream.linear.gather [hbm4b:s0+s30], $0x800, $0x38;
	[tilespmem:$0x14200] =	vst v63  }
0x159: {  	_ =	swait.ge [sflag:s6], $0x800  }
0x15a: {  	[sflag:s6] =	ssyncset.done $0x0  }
0x15b: {  	s1 =	rddreg [dreg:$0x5];
	[sflag:s6] =	ssyncadd.s32 $0xFFFFF800  }
0x15c: {  	[tilespmem:s31], [sflag:$0x5] =	stream.linear.gather [hbm4b:s1+s30], $0x800, $0x38;
	[tilespmem:$0x14200] =	vst v63  }
0x15d: {  	_ =	swait.ge [sflag:s6], $0x800  }
0x15e: {  	[sflag:s6] =	ssyncset.done $0x0  }
0x15f: {  	[sflag:s6] =	ssyncadd.s32 $0xFFFFF800  }
0x160: {  	[bflag:$0x0] =	sbarrier.arrive $0xFFFF  }
0x161: {  	[tilespmem:s11], [sflag:$0x1] =	stream.indirect.gather [hbm4b:s4+s7], $0x90, s30, s7, $0xb8;
	[tilespmem:$0x14200] =	vst v63  }
0x162: {  	_ = 	snop  }
0x163: {  	[tilespmem:s10], [sflag:$0x2] =	stream.indirect.gather [hbm4b:s4+s7], $0x90, s7, s7, $0xb8;
	[tilespmem:$0x14200] =	vst v63  }
0x164: {  	s1 =	rddreg [dreg:$0x7]  }
0x165: {  	[tilespmem:s9], [sflag:$0x3] =	stream.indirect.gather [hbm4b:s4+s7], $0x90, s1, s7, $0xb8;
	[tilespmem:$0x14200] =	vst v63  }
0x166: {  	s30 =	rddreg [dreg:$0x8]  }
0x167: {  	[tilespmem:s8], [sflag:$0x4] =	stream.indirect.gather [hbm4b:s4+s7], $0x90, s30, s7, $0xb8;
	[tilespmem:$0x14200] =	vst v63  }
0x168: {  	_ =	swait.ge [sflag:s15], $0x4800  }
0x169: {  	[sflag:s15] =	ssyncset.done $0x0  }
0x16a: {  	[sflag:s15] =	ssyncadd.s32 $0xFFFFB800  }
0x16b: {  	[spmem:s2] =	stream.indirect.scatter.add.f32 [tilespmem:s11], [sflag:$0x5], $0x90, s31, s7, $0xb8;
	[tilespmem:$0x14200] =	vst v63  }
0x16c: {  	_ =	swait.ge [sflag:s6], $0x4800  }
0x16d: {  	[sflag:s6] =	ssyncset.done $0x0  }
0x16e: {  	s31 =	rddreg [dreg:$0x9];
	[sflag:s6] =	ssyncadd.s32 $0xFFFFB800  }
0x16f: {  	[tilespmem:s11], [sflag:$0x1] =	stream.indirect.gather [hbm4b:s4+s7], $0x90, s31, s7, $0xb8;
	[tilespmem:$0x14200] =	vst v63  }
0x170: {  	_ =	swait.ge [sflag:s14], $0x4800  }
0x171: {  	[sflag:s14] =	ssyncset.done $0x0  }
0x172: {  	s1 =	rddreg [dreg:$0xa];
	[sflag:s14] =	ssyncadd.s32 $0xFFFFB800  }
0x173: {  	[spmem:s2] =	stream.indirect.scatter.add.f32 [tilespmem:s10], [sflag:$0x5], $0x90, s1, s7, $0xb8;
	[tilespmem:$0x14200] =	vst v63  }
0x174: {  	_ =	swait.ge [sflag:s6], $0x4800  }
0x175: {  	[sflag:s6] =	ssyncset.done $0x0  }
0x176: {  	s30 =	rddreg [dreg:$0xb];
	[sflag:s6] =	ssyncadd.s32 $0xFFFFB800  }
0x177: {  	[tilespmem:s10], [sflag:$0x2] =	stream.indirect.gather [hbm4b:s4+s7], $0x90, s30, s7, $0xb8;
	[tilespmem:$0x14200] =	vst v63  }
0x178: {  	_ =	swait.ge [sflag:s13], $0x4800  }
0x179: {  	[sflag:s13] =	ssyncset.done $0x0  }
0x17a: {  	s31 =	rddreg [dreg:$0xc];
	[sflag:s13] =	ssyncadd.s32 $0xFFFFB800  }
0x17b: {  	[spmem:s2] =	stream.indirect.scatter.add.f32 [tilespmem:s9], [sflag:$0x5], $0x90, s31, s7, $0xb8;
	[tilespmem:$0x14200] =	vst v63  }
0x17c: {  	_ =	swait.ge [sflag:s6], $0x4800  }
0x17d: {  	[sflag:s6] =	ssyncset.done $0x0  }
0x17e: {  	s1 =	rddreg [dreg:$0xd];
	[sflag:s6] =	ssyncadd.s32 $0xFFFFB800  }
0x17f: {  	[tilespmem:s9], [sflag:$0x3] =	stream.indirect.gather [hbm4b:s4+s7], $0x90, s1, s7, $0xb8;
	[tilespmem:$0x14200] =	vst v63  }
0x180: {  	_ =	swait.ge [sflag:s12], $0x4800  }
0x181: {  	[sflag:s12] =	ssyncset.done $0x0  }
0x182: {  	s30 =	rddreg [dreg:$0xe];
	[sflag:s12] =	ssyncadd.s32 $0xFFFFB800  }
0x183: {  	[spmem:s2] =	stream.indirect.scatter.add.f32 [tilespmem:s8], [sflag:$0x5], $0x90, s30, s7, $0xb8;
	[tilespmem:$0x14200] =	vst v63  }
0x184: {  	_ =	swait.ge [sflag:s6], $0x4800  }
0x185: {  	[sflag:s6] =	ssyncset.done $0x0  }
0x186: {  	s31 =	rddreg [dreg:$0xf];
	[sflag:s6] =	ssyncadd.s32 $0xFFFFB800  }
0x187: {  	[tilespmem:s8], [sflag:$0x4] =	stream.indirect.gather [hbm4b:s4+s7], $0x90, s31, s7, $0xb8;
	[tilespmem:$0x14200] =	vst v63  }
0x188: {  	_ =	swait.ge [sflag:s15], $0x4800  }
0x189: {  	[sflag:s15] =	ssyncset.done $0x0  }
0x18a: {  	s1 =	rddreg [dreg:$0x10];
	[sflag:s15] =	ssyncadd.s32 $0xFFFFB800  }
0x18b: {  	[spmem:s2] =	stream.indirect.scatter.add.f32 [tilespmem:s11], [sflag:$0x5], $0x90, s1, s7, $0xb8;
	[tilespmem:$0x14200] =	vst v63  }
0x18c: {  	_ =	swait.ge [sflag:s6], $0x4800  }
0x18d: {  	[sflag:s6] =	ssyncset.done $0x0  }
0x18e: {  	s30 =	rddreg [dreg:$0x11];
	[sflag:s6] =	ssyncadd.s32 $0xFFFFB800  }
0x18f: {  	[tilespmem:s11], [sflag:$0x1] =	stream.indirect.gather [hbm4b:s4+s7], $0x90, s30, s7, $0xb8;
	[tilespmem:$0x14200] =	vst v63  }
0x190: {  	_ =	swait.ge [sflag:s14], $0x4800  }
0x191: {  	[sflag:s14] =	ssyncset.done $0x0  }
0x192: {  	s31 =	rddreg [dreg:$0x12];
	[sflag:s14] =	ssyncadd.s32 $0xFFFFB800  }
0x193: {  	[spmem:s2] =	stream.indirect.scatter.add.f32 [tilespmem:s10], [sflag:$0x5], $0x90, s31, s7, $0xb8;
	[tilespmem:$0x14200] =	vst v63  }
0x194: {  	_ =	swait.ge [sflag:s6], $0x4800  }
0x195: {  	[sflag:s6] =	ssyncset.done $0x0  }
0x196: {  	s1 =	rddreg [dreg:$0x13];
	[sflag:s6] =	ssyncadd.s32 $0xFFFFB800  }
0x197: {  	[tilespmem:s10], [sflag:$0x2] =	stream.indirect.gather [hbm4b:s4+s7], $0x90, s1, s7, $0xb8;
	[tilespmem:$0x14200] =	vst v63  }
0x198: {  	_ =	swait.ge [sflag:s13], $0x4800  }
0x199: {  	[sflag:s13] =	ssyncset.done $0x0  }
0x19a: {  	s30 =	rddreg [dreg:$0x14];
	[sflag:s13] =	ssyncadd.s32 $0xFFFFB800  }
0x19b: {  	[spmem:s2] =	stream.indirect.scatter.add.f32 [tilespmem:s9], [sflag:$0x5], $0x90, s30, s7, $0xb8;
	[tilespmem:$0x14200] =	vst v63  }
0x19c: {  	_ =	swait.ge [sflag:s6], $0x4800  }
0x19d: {  	[sflag:s6] =	ssyncset.done $0x0  }
0x19e: {  	s31 =	rddreg [dreg:$0x15];
	[sflag:s6] =	ssyncadd.s32 $0xFFFFB800  }
0x19f: {  	[tilespmem:s9], [sflag:$0x3] =	stream.indirect.gather [hbm4b:s4+s7], $0x90, s31, s7, $0xb8;
	[tilespmem:$0x14200] =	vst v63  }
0x1a0: {  	_ =	swait.ge [sflag:s12], $0x4800  }
0x1a1: {  	[sflag:s12] =	ssyncset.done $0x0  }
0x1a2: {  	s1 =	rddreg [dreg:$0x16];
	[sflag:s12] =	ssyncadd.s32 $0xFFFFB800  }
0x1a3: {  	[spmem:s2] =	stream.indirect.scatter.add.f32 [tilespmem:s8], [sflag:$0x5], $0x90, s1, s7, $0xb8;
	[tilespmem:$0x14200] =	vst v63  }
0x1a4: {  	_ =	swait.ge [sflag:s6], $0x4800  }
0x1a5: {  	[sflag:s6] =	ssyncset.done $0x0  }
0x1a6: {  	[sflag:s6] =	ssyncadd.s32 $0xFFFFB800  }
0x1a7: {  	[tilespmem:s8], [sflag:$0x4] =	stream.indirect.gather [hbm4b:s4+s7], $0x90, s17, s7, $0xb8;
	[tilespmem:$0x14200] =	vst v63  }
0x1a8: {  	_ =	swait.ge [sflag:s15], $0x4800  }
0x1a9: {  	[sflag:s15] =	ssyncset.done $0x0  }
0x1aa: {  	[sflag:s15] =	ssyncadd.s32 $0xFFFFB800  }
0x1ab: {  	[spmem:s2] =	stream.indirect.scatter.add.f32 [tilespmem:s11], [sflag:$0x5], $0x90, s29, s7, $0xb8;
	[tilespmem:$0x14200] =	vst v63  }
0x1ac: {  	_ =	swait.ge [sflag:s6], $0x4800  }
0x1ad: {  	[sflag:s6] =	ssyncset.done $0x0  }
0x1ae: {  	[sflag:s6] =	ssyncadd.s32 $0xFFFFB800  }
0x1af: {  	[tilespmem:s11], [sflag:$0x1] =	stream.indirect.gather [hbm4b:s4+s7], $0x90, s28, s7, $0xb8;
	[tilespmem:$0x14200] =	vst v63  }
0x1b0: {  	_ =	swait.ge [sflag:s14], $0x4800  }
0x1b1: {  	[sflag:s14] =	ssyncset.done $0x0  }
0x1b2: {  	[sflag:s14] =	ssyncadd.s32 $0xFFFFB800  }
0x1b3: {  	[spmem:s2] =	stream.indirect.scatter.add.f32 [tilespmem:s10], [sflag:$0x5], $0x90, s26, s7, $0xb8;
	[tilespmem:$0x14200] =	vst v63  }
0x1b4: {  	_ =	swait.ge [sflag:s6], $0x4800  }
0x1b5: {  	[sflag:s6] =	ssyncset.done $0x0  }
0x1b6: {  	[sflag:s6] =	ssyncadd.s32 $0xFFFFB800  }
0x1b7: {  	[tilespmem:s10], [sflag:$0x2] =	stream.indirect.gather [hbm4b:s4+s7], $0x90, s25, s7, $0xb8;
	[tilespmem:$0x14200] =	vst v63  }
0x1b8: {  	_ =	swait.ge [sflag:s13], $0x4800  }
0x1b9: {  	[sflag:s13] =	ssyncset.done $0x0  }
0x1ba: {  	[sflag:s13] =	ssyncadd.s32 $0xFFFFB800  }
0x1bb: {  	[spmem:s2] =	stream.indirect.scatter.add.f32 [tilespmem:s9], [sflag:$0x5], $0x90, s24, s7, $0xb8;
	[tilespmem:$0x14200] =	vst v63  }
0x1bc: {  	_ =	swait.ge [sflag:s6], $0x4800  }
0x1bd: {  	[sflag:s6] =	ssyncset.done $0x0  }
0x1be: {  	[sflag:s6] =	ssyncadd.s32 $0xFFFFB800  }
0x1bf: {  	[tilespmem:s9], [sflag:$0x3] =	stream.indirect.gather [hbm4b:s4+s7], $0x90, s22, s7, $0xb8;
	[tilespmem:$0x14200] =	vst v63  }
0x1c0: {  	_ =	swait.ge [sflag:s12], $0x4800  }
0x1c1: {  	[sflag:s12] =	ssyncset.done $0x0  }
0x1c2: {  	[sflag:s12] =	ssyncadd.s32 $0xFFFFB800  }
0x1c3: {  	[spmem:s2] =	stream.indirect.scatter.add.f32 [tilespmem:s8], [sflag:$0x5], $0x90, s23, s7, $0xb8;
	[tilespmem:$0x14200] =	vst v63  }
0x1c4: {  	_ =	swait.ge [sflag:s6], $0x4800  }
0x1c5: {  	[sflag:s6] =	ssyncset.done $0x0  }
0x1c6: {  	[sflag:s6] =	ssyncadd.s32 $0xFFFFB800  }
0x1c7: {  	[tilespmem:s8], [sflag:$0x4] =	stream.indirect.gather [hbm4b:s4+s7], $0x90, s21, s7, $0xb8;
	[tilespmem:$0x14200] =	vst v63  }
0x1c8: {  	_ =	swait.ge [sflag:s15], $0x4800  }
0x1c9: {  	[sflag:s15] =	ssyncset.done $0x0  }
0x1ca: {  	[sflag:s15] =	ssyncadd.s32 $0xFFFFB800  }
0x1cb: {  	[spmem:s2] =	stream.indirect.scatter.add.f32 [tilespmem:s11], [sflag:$0x5], $0x90, s20, s7, $0xb8;
	[tilespmem:$0x14200] =	vst v63  }
0x1cc: {  	_ =	swait.ge [sflag:s6], $0x4800  }
0x1cd: {  	[sflag:s6] =	ssyncset.done $0x0  }
0x1ce: {  	[sflag:s6] =	ssyncadd.s32 $0xFFFFB800  }
0x1cf: {  	_ =	swait.ge [sflag:s14], $0x4800  }
0x1d0: {  	[sflag:s14] =	ssyncset.done $0x0  }
0x1d1: {  	[sflag:s14] =	ssyncadd.s32 $0xFFFFB800  }
0x1d2: {  	[spmem:s2] =	stream.indirect.scatter.add.f32 [tilespmem:s10], [sflag:$0x5], $0x90, s19, s7, $0xb8;
	[tilespmem:$0x14200] =	vst v63  }
0x1d3: {  	_ =	swait.ge [sflag:s6], $0x4800  }
0x1d4: {  	[sflag:s6] =	ssyncset.done $0x0  }
0x1d5: {  	[sflag:s6] =	ssyncadd.s32 $0xFFFFB800  }
0x1d6: {  	_ =	swait.ge [sflag:s13], $0x4800  }
0x1d7: {  	[sflag:s13] =	ssyncset.done $0x0  }
0x1d8: {  	[sflag:s13] =	ssyncadd.s32 $0xFFFFB800  }
0x1d9: {  	[spmem:s2] =	stream.indirect.scatter.add.f32 [tilespmem:s9], [sflag:$0x5], $0x90, s18, s7, $0xb8;
	[tilespmem:$0x14200] =	vst v63  }
0x1da: {  	_ =	swait.ge [sflag:s6], $0x4800  }
0x1db: {  	[sflag:s6] =	ssyncset.done $0x0  }
0x1dc: {  	[sflag:s6] =	ssyncadd.s32 $0xFFFFB800  }
0x1dd: {  	_ =	swait.ge [sflag:s12], $0x4800  }
0x1de: {  	[sflag:s12] =	ssyncset.done $0x0  }
0x1df: {  	s29 =	simm.s32 $0xF80;
	[sflag:s12] =	ssyncadd.s32 $0xFFFFB800  }
0x1e0: {  	[spmem:s2] =	stream.indirect.scatter.add.f32 [tilespmem:s8], [sflag:$0x5], $0x90, s29, s7, $0xb8;
	[tilespmem:$0x14200] =	vst v63  }
0x1e1: {  	_ =	swait.ge [sflag:s6], $0x4800  }
0x1e2: {  	[sflag:s6] =	ssyncset.done $0x0  }
0x1e3: {  	[sflag:s6] =	ssyncadd.s32 $0xFFFFB800  }
0x1e4: {  	[bflag:$0x0] =	sbarrier.arrive $0xFFFF  }
0x1e5: {  	s30 =	rddreg [dreg:$0x6]  }
0x1e6: {  	[hbm:s30], [sflag:s3] =	dma.local [spmem:s5], $0x240  }
0x1e7: {  	_ =	swait.ge [sflag:s6], $0x240  }
0x1e8: {  	[sflag:s6] =	ssyncset.done $0x0  }
0x1e9: {  	[sflag:s6] =	ssyncadd.s32 $0xFFFFFDC0  }
0x1ea: {  	_ =	sfence.sel $0x180000  }
0x1eb: {  	s31 =	stileid.u32;
	[bflag:$0x0] =	sbarrier.arrive $0xFFFF  }
0x1ec: {  	p0 =	sne.s32 s31, $0x0;
	_ =	strace $0x9000004A  }
0x1ed: {  	s0 =	sadd.s32 @!p0 $0x100000, s16;
	[bflag:$0x2] =	sbarrier.arrive $0xFFFF  }
0x1ee: {  	[sflag:s0] =	ssyncadd.tile.s32 @!p0 $0x1;
	_ =	shalt  }
.LBB2_1:
.Ltmp3:
0x1ef: {  	(pc) =	sbr.rel .LBB2_6-.Ltmp3, $4  }
0x1f0: {  	s17 =	simm.s32 $0x580;
	s29 =	simm.s32 $0xC00;
	s28 =	simm.s32 $0x600  }
0x1f1: {  	s26 =	simm.s32 $0xC80;
	s25 =	simm.s32 $0x680;
	s24 =	simm.s32 $0xD00  }
0x1f2: {  	s23 =	simm.s32 $0xD80;
	s22 =	simm.s32 $0x700;
	s21 =	simm.s32 $0x780  }
0x1f3: {  	s20 =	simm.s32 $0xE00;
	s19 =	simm.s32 $0xE80;
	s18 =	simm.s32 $0xF00  }
.LBB2_3:
.Ltmp4:
0x1f4: {  	s17 =	simm.s32 $0x580;
	(pc) =	sbr.rel .LBB2_6-.Ltmp4, $4  }
0x1f5: {  	s29 =	simm.s32 $0xC00;
	s28 =	simm.s32 $0x600;
	s26 =	simm.s32 $0xC80  }
0x1f6: {  	s25 =	simm.s32 $0x680;
	s24 =	simm.s32 $0xD00;
	s23 =	simm.s32 $0xD80  }
0x1f7: {  	s22 =	simm.s32 $0x700;
	s21 =	simm.s32 $0x780;
	s20 =	simm.s32 $0xE00  }
0x1f8: {  	s19 =	simm.s32 $0xE80;
	s18 =	simm.s32 $0xF00;
	s16 =	rddreg [dreg:$0x2]  }
.Lfunc_end2:
_tile_overlayer_lowered:
.L_overlay_start_2:
0x1f9: {  	(tag) =	ssettag $0x2  }
0x1fa: {  	s0 =	rddreg [dreg:$0x0];
	s2 =	stileid.u32  }
0x1fb: {  	s1 =	rddreg [dreg:$0x1];
	p0 =	sne.s32 s2, $0x0  }
0x1fc: {  	s3 =	rddreg [dreg:$0x2];
	[bflag:$0x3] =	sbarrier.arrive $0xFFFF;
	s2 =	simm.s32 @!p0 $0x1C05  }
0x1fd: {  	[timem:s3], [sflag:s2] =	dma.local @!p0 [hbm:s0], s1  }
0x1fe: {  	s0 =	simm.s32 @!p0 $0x5  }
0x1ff: {  	_ =	swait.ge @!p0 [sflag:s0], s1  }
0x200: {  	s1 =	ssub.s32 @!p0 $0x0, s1;
	[sflag:s0] =	ssyncset.done @!p0 $0x0  }
0x201: {  	[sflag:s0] =	ssyncadd.s32 @!p0 s1  }
0x202: {  	[bflag:$0x3] =	sbarrier.arrive $0xFFFF  }
0x203: {  	_ =	shalt  }

</sc_bundles>
